<compile_context>
chip_gen: v7x
topology: tpu7x:2x2x1
jax: 0.10.2.dev20260603
libtpu: 0.0.44.dev20260713+nightly
codegen_flags: <defaults>
</compile_context>

<pallas_src>
import functools

import jax
import jax.numpy as jnp
from jax import lax
from jax.experimental import pallas as pl
from jax.experimental.pallas import tpu as pltpu
from jax.experimental.pallas import tpu_sc as plsc

N_NODES = 100000
N_EDGES = 6400000

NC = 2
NS = 16
NW = NC * NS
L = 16

GROUP = 128
CHUNK_E = 3200
CHUNK_W = 6 * CHUNK_E
N_DMA = CHUNK_W // GROUP
SEG_R = CHUNK_E // GROUP
N_CHUNKS = N_EDGES // CHUNK_E
N_PAD = 100096
ACC_W = 3 * N_PAD
ACC_W_SUB = ACC_W // NS


def _sc_body(xs_hbm, ys_hbm, zs_hbm, idxi_hbm, idxj_hbm, out0_hbm, out1_hbm,
             xa, ya, za, iia, jja, xb, yb, zb, iib, jjb,
             data_a, data_b, idxe_a, idxe_b, acc,
             sem_sa, sem_sb, sem_la, sem_lb):
    cid = lax.axis_index("c")
    sid = lax.axis_index("s")
    wid = sid * NC + cid

    iota = lax.iota(jnp.int32, L)
    zf = jnp.zeros((L,), jnp.float32)

    def _z(k, carry):
        data_a[pl.ds(k * L, L)] = zf
        return carry
    lax.fori_loop(0, CHUNK_W // L, _z, 0)
    a0 = sid * ACC_W_SUB
    pltpu.sync_copy(data_a.at[pl.ds(0, ACC_W_SUB)], acc.at[pl.ds(a0, ACC_W_SUB)])
    plsc.subcore_barrier()

    nloc = (N_CHUNKS - wid + NW - 1) // NW

    ins_a = (xa, ya, za, iia, jja)
    ins_b = (xb, yb, zb, iib, jjb)
    srcs = (xs_hbm, ys_hbm, zs_hbm, idxi_hbm, idxj_hbm)

    def _issue_loads(i, ins, sem):
        e0g = (wid + i * NW) * CHUNK_E
        for src, dst in zip(srcs, ins):
            pltpu.async_copy(src.at[pl.ds(e0g, CHUNK_E)], dst, sem)

    def _wait_loads(i, ins, sem):
        e0g = (wid + i * NW) * CHUNK_E
        for src, dst in zip(srcs, ins):
            pltpu.make_async_copy(src.at[pl.ds(e0g, CHUNK_E)], dst, sem).wait()

    def _compute(ins, data_v, idxe_v):
        xv, yv, zv, ii_v, jj_v = ins

        def _grp(k, carry2):
            e0 = k * L
            ii = ii_v[pl.ds(e0, L)]
            jj = jj_v[pl.ds(e0, L)]
            x = xv[pl.ds(e0, L)]
            y = yv[pl.ds(e0, L)]
            z = zv[pl.ds(e0, L)]
            g = -2.0 * jnp.exp(-(x * x + y * y + z * z))
            row0 = k // 8
            col = (e0 % GROUP) + iota
            vals = (g * x, g * y, g * z)
            for s in range(3):
                data_v[pl.ds(s * CHUNK_E + e0, L)] = vals[s]
                data_v[pl.ds((s + 3) * CHUNK_E + e0, L)] = -vals[s]
                plsc.store_scatter(
                    idxe_v, [jnp.full((L,), s * SEG_R + row0, jnp.int32), col],
                    ii + s * N_PAD)
                plsc.store_scatter(
                    idxe_v, [jnp.full((L,), (s + 3) * SEG_R + row0, jnp.int32),
                             col], jj + s * N_PAD)
            return carry2
        lax.fori_loop(0, CHUNK_E // L, _grp, 0)

    def _issue_scat(data_v, idxe_v, sem):
        def _scat(j, carry2):
            pltpu.async_copy(data_v.at[pl.ds(j * GROUP, GROUP)],
                             acc.at[idxe_v.at[j]], sem, add=True)
            return carry2
        lax.fori_loop(0, N_DMA, _scat, 0)

    def _drain_scat(data_v, sem):
        pltpu.make_async_copy(data_v, acc.at[pl.ds(0, CHUNK_W)], sem).wait()

    def _half(i, ins, sem_l, data_v, idxe_v, sem_s):
        _wait_loads(i, ins, sem_l)

        @pl.when(i >= 2)
        def _():
            _drain_scat(data_v, sem_s)

        _compute(ins, data_v, idxe_v)

        @pl.when(i + 2 < nloc)
        def _():
            _issue_loads(i + 2, ins, sem_l)

        _issue_scat(data_v, idxe_v, sem_s)

    _issue_loads(0, ins_a, sem_la)
    _issue_loads(1, ins_b, sem_lb)

    def _pair(ii2, carry):
        i0 = 2 * ii2
        _half(i0, ins_a, sem_la, data_a, idxe_a, sem_sa)

        @pl.when(i0 + 1 < nloc)
        def _():
            _half(i0 + 1, ins_b, sem_lb, data_b, idxe_b, sem_sb)

        return carry

    lax.fori_loop(0, (nloc + 1) // 2, _pair, 0)

    _drain_scat(data_a, sem_sa)
    _drain_scat(data_b, sem_sb)

    plsc.subcore_barrier()

    pltpu.sync_copy(acc.at[pl.ds(a0, ACC_W_SUB)], data_a.at[pl.ds(0, ACC_W_SUB)])

    @pl.when(cid == 0)
    def _():
        pltpu.sync_copy(data_a.at[pl.ds(0, ACC_W_SUB)],
                        out0_hbm.at[pl.ds(a0, ACC_W_SUB)])

    @pl.when(cid == 1)
    def _():
        pltpu.sync_copy(data_a.at[pl.ds(0, ACC_W_SUB)],
                        out1_hbm.at[pl.ds(a0, ACC_W_SUB)])


_sc_scatter = functools.partial(
    pl.kernel,
    out_type=(jax.ShapeDtypeStruct((ACC_W,), jnp.float32),
              jax.ShapeDtypeStruct((ACC_W,), jnp.float32)),
    mesh=plsc.VectorSubcoreMesh(core_axis_name="c", subcore_axis_name="s"),
    compiler_params=pltpu.CompilerParams(needs_layout_passes=False),
    scratch_types=[
        pltpu.VMEM((CHUNK_E,), jnp.float32),
        pltpu.VMEM((CHUNK_E,), jnp.float32),
        pltpu.VMEM((CHUNK_E,), jnp.float32),
        pltpu.VMEM((CHUNK_E,), jnp.int32),
        pltpu.VMEM((CHUNK_E,), jnp.int32),
        pltpu.VMEM((CHUNK_E,), jnp.float32),
        pltpu.VMEM((CHUNK_E,), jnp.float32),
        pltpu.VMEM((CHUNK_E,), jnp.float32),
        pltpu.VMEM((CHUNK_E,), jnp.int32),
        pltpu.VMEM((CHUNK_E,), jnp.int32),
        pltpu.VMEM((CHUNK_W,), jnp.float32),
        pltpu.VMEM((CHUNK_W,), jnp.float32),
        pltpu.VMEM((N_DMA, GROUP), jnp.int32),
        pltpu.VMEM((N_DMA, GROUP), jnp.int32),
        pltpu.VMEM_SHARED((ACC_W,), jnp.float32),
        pltpu.SemaphoreType.DMA,
        pltpu.SemaphoreType.DMA,
        pltpu.SemaphoreType.DMA,
        pltpu.SemaphoreType.DMA,
    ],
)(_sc_body)


def _combine_body(a_ref, b_ref, o_ref):
    o_ref[...] = a_ref[...] + b_ref[...]


_R128 = ACC_W // 128
_combine = pl.pallas_call(
    _combine_body,
    out_shape=jax.ShapeDtypeStruct((_R128, 128), jnp.float32),
)


@jax.jit
def kernel(R, Rij, idx_i, idx_j):
    xs = Rij[:, 0]
    ys = Rij[:, 1]
    zs = Rij[:, 2]
    idxi = idx_i.astype(jnp.int32)
    idxj = idx_j.astype(jnp.int32)
    p0, p1 = _sc_scatter(xs, ys, zs, idxi, idxj)
    summed = _combine(p0.reshape(_R128, 128), p1.reshape(_R128, 128))
    planar = summed.reshape(3, N_PAD)
    return planar[:, :N_NODES].T

# --- scband reference (transcript-rebuilt; emitter-appended) ---
"""Pipeline reference for scband-response-71571335021156 (READ-ONLY COPY).

The authoritative reference and input builder live on the scoring server;
editing this copy changes nothing except your own understanding.
"""

import jax, jax.numpy as jnp
import numpy as np

N_NODES = 100000
N_EDGES = 6400000

def _energy_fn(Rij):
    # Surrogate differentiable energy model as a function of pairwise displacement
    # vectors Rij (stands in for the upstream SchNet energy head whose graph the
    # Response layer differentiates through).
    r2 = jnp.sum(Rij * Rij, axis=-1)
    return jnp.sum(jnp.exp(-r2))

def setup_inputs(seed: int = 0) -> dict:
    key = jax.random.key(seed)
    k1, k2, k3, k4 = jax.random.split(key, 4)
    R = jax.random.normal(k1, (N_NODES, 3), dtype=jnp.float32)
    Rij = jax.random.normal(k2, (N_EDGES, 3), dtype=jnp.float32)
    idx_i = jax.random.randint(k3, (N_EDGES,), 0, N_NODES, dtype=jnp.int64) if jax.config.jax_enable_x64 else jax.random.randint(k3, (N_EDGES,), 0, N_NODES, dtype=jnp.int32)
    idx_j = jax.random.randint(k4, (N_EDGES,), 0, N_NODES, dtype=jnp.int64) if jax.config.jax_enable_x64 else jax.random.randint(k4, (N_EDGES,), 0, N_NODES, dtype=jnp.int32)
    return {"R": R, "Rij": Rij, "idx_i": idx_i, "idx_j": idx_j}

def reference(R, Rij, idx_i, idx_j):
    # Response layer with response_properties=["forces"]:
    #   dEdRij = dE/dRij  (autograd through the energy model)
    #   F = index_add(0, idx_i, dEdRij) + index_add(0, idx_j, -dEdRij)
    dEdRij = jax.grad(_energy_fn)(Rij)
    Fpred = jnp.zeros_like(R)
    Fpred = Fpred.at[idx_i].add(dEdRij)
    Fpred = Fpred.at[idx_j].add(-dEdRij)
    return Fpred

if __name__ == "__main__":
    import jax
    _d = setup_inputs()
    print(jax.jit(kernel)(*tuple(_d.values())))

</pallas_src>

<mosaic_0001>
#map = affine_map<(d0, d1) -> (0)>
module attributes {stable_mosaic.version = 14 : i64} {
  func.func @_sc_body(%arg0: i32, %arg1: i32, %arg2: memref<6400000xf32, #tpu.memory_space<hbm>>, %arg3: memref<6400000xf32, #tpu.memory_space<hbm>>, %arg4: memref<6400000xf32, #tpu.memory_space<hbm>>, %arg5: memref<6400000xi32, #tpu.memory_space<hbm>>, %arg6: memref<6400000xi32, #tpu.memory_space<hbm>>, %arg7: memref<300288xf32, #tpu.memory_space<hbm>>, %arg8: memref<300288xf32, #tpu.memory_space<hbm>>, %arg9: memref<3200xf32, #tpu.memory_space<vmem>>, %arg10: memref<3200xf32, #tpu.memory_space<vmem>>, %arg11: memref<3200xf32, #tpu.memory_space<vmem>>, %arg12: memref<3200xi32, #tpu.memory_space<vmem>>, %arg13: memref<3200xi32, #tpu.memory_space<vmem>>, %arg14: memref<3200xf32, #tpu.memory_space<vmem>>, %arg15: memref<3200xf32, #tpu.memory_space<vmem>>, %arg16: memref<3200xf32, #tpu.memory_space<vmem>>, %arg17: memref<3200xi32, #tpu.memory_space<vmem>>, %arg18: memref<3200xi32, #tpu.memory_space<vmem>>, %arg19: memref<19200xf32, #tpu.memory_space<vmem>>, %arg20: memref<19200xf32, #tpu.memory_space<vmem>>, %arg21: memref<150x128xi32, #tpu.memory_space<vmem>>, %arg22: memref<150x128xi32, #tpu.memory_space<vmem>>, %arg23: memref<300288xf32, #tpu.memory_space<vmem_shared>>, %arg24: memref<!tpu.dma_semaphore, #tpu.memory_space<semaphore_mem>>, %arg25: memref<!tpu.dma_semaphore, #tpu.memory_space<semaphore_mem>>, %arg26: memref<!tpu.dma_semaphore, #tpu.memory_space<semaphore_mem>>, %arg27: memref<!tpu.dma_semaphore, #tpu.memory_space<semaphore_mem>>) attributes {dimension_semantics = [#tpu.dimension_semantics<core_parallel>, #tpu.dimension_semantics<subcore_parallel>], iteration_bounds = array<i64: 2, 16>, scalar_prefetch = 0 : i64, scratch_operands = 19 : i64, tpu.core_type = #tpu.core_type<sc_vector_subcore>, window_params = [{transform_indices = #map}, {transform_indices = #map}, {transform_indices = #map}, {transform_indices = #map}, {transform_indices = #map}, {transform_indices = #map}, {transform_indices = #map}]} {
    %mul3A = arith.constant 2 : i32
    %mul3A_0 = arith.muli %arg1, %mul3A : i32
    %add3A = arith.addi %mul3A_0, %arg0 : i32
    %iota3A = tpu.iota {dimensions = array<i32: 0>} : vector<16xi32>
    %broadcast_in_dim3A = arith.constant 0.000000e+00 : f32
    %broadcast_in_dim3A_1 = vector.broadcast %broadcast_in_dim3A : f32 to vector<16xf32>
    %scan3A = arith.constant 0 : i32
    %scan3A_2 = arith.constant 0 : i32
    %scan3A_3 = arith.constant 1200 : i32
    %scan3A_4 = arith.addi %scan3A_2, %scan3A_3 : i32
    %scan3A_5 = arith.constant 1 : i32
    scf.for %scan3A_108 = %scan3A_2 to %scan3A_4 step %scan3A_5  : i32 {
      %mul3A_109 = arith.constant 16 : i32
      %mul3A_110 = arith.muli %scan3A_108, %mul3A_109 : i32
      %swap3A = arith.index_cast %mul3A_110 : i32 to index
      %swap3A_111 = tpu.vector_load %arg19[%swap3A] {strides = array<i32>} : memref<19200xf32, #tpu.memory_space<vmem>>, vector<16xf32>,
      tpu.vector_store %arg19[%swap3A], %broadcast_in_dim3A_1 {strides = array<i32>} : memref<19200xf32, #tpu.memory_space<vmem>>, vector<16xf32>,
    }
    %scan3A_6 = arith.constant 1200 : i32
    %mul3A_7 = arith.constant 18768 : i32
    %mul3A_8 = arith.muli %arg1, %mul3A_7 : i32
    "tpu.region"() ({
      %run_scoped3A = tpu.sem_alloc : memref<!tpu.dma_semaphore, #tpu.memory_space<semaphore_mem>>
      %dma_start3A_108 = arith.constant 0 : i32
      %dma_start3A_109 = tpu.memref_slice %arg19[%dma_start3A_108] : memref<19200xf32, #tpu.memory_space<vmem>> -> memref<18768xf32, #tpu.memory_space<vmem>>
      %dma_start3A_110 = tpu.memref_slice %arg23[%mul3A_8] : memref<300288xf32, #tpu.memory_space<vmem_shared>> -> memref<18768xf32, #tpu.memory_space<vmem_shared>>
      %dma_start3A_111 = tpu.memref_slice %arg23[%mul3A_8] : memref<300288xf32, #tpu.memory_space<vmem_shared>> -> memref<18768xf32, #tpu.memory_space<vmem_shared>>
      %dma_start3A_112 = arith.constant 0 : i32
      %dma_start3A_113 = tpu.memref_slice %arg19[%dma_start3A_112] : memref<19200xf32, #tpu.memory_space<vmem>> -> memref<18768xf32, #tpu.memory_space<vmem>>
      tpu.enqueue_dma source(%dma_start3A_113 : memref<18768xf32, #tpu.memory_space<vmem>>) target(%dma_start3A_111 : memref<18768xf32, #tpu.memory_space<vmem_shared>>) target_semaphore(%run_scoped3A : memref<!tpu.dma_semaphore, #tpu.memory_space<semaphore_mem>>)
      %dma_wait3A_114 = arith.constant 0 : i32
      %dma_wait3A_115 = tpu.memref_slice %arg19[%dma_wait3A_114] : memref<19200xf32, #tpu.memory_space<vmem>> -> memref<18768xf32, #tpu.memory_space<vmem>>
      %dma_wait3A_116 = tpu.memref_slice %arg23[%mul3A_8] : memref<300288xf32, #tpu.memory_space<vmem_shared>> -> memref<18768xf32, #tpu.memory_space<vmem_shared>>
      %dma_wait3A_117 = tpu.memref_slice %arg23[%mul3A_8] : memref<300288xf32, #tpu.memory_space<vmem_shared>> -> memref<18768xf32, #tpu.memory_space<vmem_shared>>
      %dma_wait3A_118 = arith.constant 0 : i32
      %dma_wait3A_119 = tpu.memref_slice %arg19[%dma_wait3A_118] : memref<19200xf32, #tpu.memory_space<vmem>> -> memref<18768xf32, #tpu.memory_space<vmem>>
      tpu.wait_dma2 semaphore(%run_scoped3A : memref<!tpu.dma_semaphore, #tpu.memory_space<semaphore_mem>>) src(%dma_wait3A_119 : memref<18768xf32, #tpu.memory_space<vmem>>) dst(%dma_wait3A_117 : memref<18768xf32, #tpu.memory_space<vmem_shared>>)
      tpu.yield
    }) : () -> ()
    %barrier3A = arith.constant 0 : index
    tpu.barrier barrier_id(%barrier3A)
    %sub3A = arith.constant 2000 : i32
    %sub3A_9 = arith.subi %sub3A, %add3A : i32
    %add3A_10 = arith.constant 32 : i32
    %add3A_11 = arith.addi %sub3A_9, %add3A_10 : i32
    %sub3A_12 = arith.constant 1 : i32
    %sub3A_13 = arith.subi %add3A_11, %sub3A_12 : i32
    %jit3A = arith.constant 32 : i32
    %div3A = arith.divsi %sub3A_13, %jit3A : i32
    %sign3A = arith.constant 0 : i32
    %sign3A_14 = arith.cmpi sgt, %sub3A_13, %sign3A : i32
    %sign3A_15 = arith.extui %sign3A_14 : i1 to i32
    %sign3A_16 = arith.constant 0 : i32
    %sign3A_17 = arith.cmpi slt, %sub3A_13, %sign3A_16 : i32
    %sign3A_18 = arith.extui %sign3A_17 : i1 to i32
    %sign3A_19 = arith.subi %sign3A_15, %sign3A_18 : i32
    %sign3A_20 = arith.constant 0 : i32
    %sign3A_21 = arith.cmpi sgt, %jit3A, %sign3A_20 : i32
    %sign3A_22 = arith.extui %sign3A_21 : i1 to i32
    %sign3A_23 = arith.constant 0 : i32
    %sign3A_24 = arith.cmpi slt, %jit3A, %sign3A_23 : i32
    %sign3A_25 = arith.extui %sign3A_24 : i1 to i32
    %sign3A_26 = arith.subi %sign3A_22, %sign3A_25 : i32
    %ne3A = arith.cmpi ne, %sign3A_19, %sign3A_26 : i32
    %rem3A = arith.remsi %sub3A_13, %jit3A : i32
    %ne3A_27 = arith.constant 0 : i32
    %ne3A_28 = arith.cmpi ne, %rem3A, %ne3A_27 : i32
    %and3A = arith.andi %ne3A, %ne3A_28 : i1
    %sub3A_29 = arith.constant 1 : i32
    %sub3A_30 = arith.subi %div3A, %sub3A_29 : i32
    %select_n3A = arith.select %and3A, %sub3A_30, %div3A : i32
    %add3A_31 = arith.constant 0 : i32
    %add3A_32 = arith.addi %add3A, %add3A_31 : i32
    %mul3A_33 = arith.constant 3200 : i32
    %mul3A_34 = arith.muli %add3A_32, %mul3A_33 : i32
    %dma_start3A = tpu.memref_slice %arg2[%mul3A_34] : memref<6400000xf32, #tpu.memory_space<hbm>> -> memref<3200xf32, #tpu.memory_space<hbm>>
    %dma_start3A_35 = tpu.memref_slice %arg2[%mul3A_34] : memref<6400000xf32, #tpu.memory_space<hbm>> -> memref<3200xf32, #tpu.memory_space<hbm>>
    tpu.enqueue_dma source(%dma_start3A_35 : memref<3200xf32, #tpu.memory_space<hbm>>) target(%arg9 : memref<3200xf32, #tpu.memory_space<vmem>>) target_semaphore(%arg26 : memref<!tpu.dma_semaphore, #tpu.memory_space<semaphore_mem>>)
    %dma_start3A_36 = tpu.memref_slice %arg3[%mul3A_34] : memref<6400000xf32, #tpu.memory_space<hbm>> -> memref<3200xf32, #tpu.memory_space<hbm>>
    %dma_start3A_37 = tpu.memref_slice %arg3[%mul3A_34] : memref<6400000xf32, #tpu.memory_space<hbm>> -> memref<3200xf32, #tpu.memory_space<hbm>>
    tpu.enqueue_dma source(%dma_start3A_37 : memref<3200xf32, #tpu.memory_space<hbm>>) target(%arg10 : memref<3200xf32, #tpu.memory_space<vmem>>) target_semaphore(%arg26 : memref<!tpu.dma_semaphore, #tpu.memory_space<semaphore_mem>>)
    %dma_start3A_38 = tpu.memref_slice %arg4[%mul3A_34] : memref<6400000xf32, #tpu.memory_space<hbm>> -> memref<3200xf32, #tpu.memory_space<hbm>>
    %dma_start3A_39 = tpu.memref_slice %arg4[%mul3A_34] : memref<6400000xf32, #tpu.memory_space<hbm>> -> memref<3200xf32, #tpu.memory_space<hbm>>
    tpu.enqueue_dma source(%dma_start3A_39 : memref<3200xf32, #tpu.memory_space<hbm>>) target(%arg11 : memref<3200xf32, #tpu.memory_space<vmem>>) target_semaphore(%arg26 : memref<!tpu.dma_semaphore, #tpu.memory_space<semaphore_mem>>)
    %dma_start3A_40 = tpu.memref_slice %arg5[%mul3A_34] : memref<6400000xi32, #tpu.memory_space<hbm>> -> memref<3200xi32, #tpu.memory_space<hbm>>
    %dma_start3A_41 = tpu.memref_slice %arg5[%mul3A_34] : memref<6400000xi32, #tpu.memory_space<hbm>> -> memref<3200xi32, #tpu.memory_space<hbm>>
    tpu.enqueue_dma source(%dma_start3A_41 : memref<3200xi32, #tpu.memory_space<hbm>>) target(%arg12 : memref<3200xi32, #tpu.memory_space<vmem>>) target_semaphore(%arg26 : memref<!tpu.dma_semaphore, #tpu.memory_space<semaphore_mem>>)
    %dma_start3A_42 = tpu.memref_slice %arg6[%mul3A_34] : memref<6400000xi32, #tpu.memory_space<hbm>> -> memref<3200xi32, #tpu.memory_space<hbm>>
    %dma_start3A_43 = tpu.memref_slice %arg6[%mul3A_34] : memref<6400000xi32, #tpu.memory_space<hbm>> -> memref<3200xi32, #tpu.memory_space<hbm>>
    tpu.enqueue_dma source(%dma_start3A_43 : memref<3200xi32, #tpu.memory_space<hbm>>) target(%arg13 : memref<3200xi32, #tpu.memory_space<vmem>>) target_semaphore(%arg26 : memref<!tpu.dma_semaphore, #tpu.memory_space<semaphore_mem>>)
    %add3A_44 = arith.constant 32 : i32
    %add3A_45 = arith.addi %add3A, %add3A_44 : i32
    %mul3A_46 = arith.constant 3200 : i32
    %mul3A_47 = arith.muli %add3A_45, %mul3A_46 : i32
    %dma_start3A_48 = tpu.memref_slice %arg2[%mul3A_47] : memref<6400000xf32, #tpu.memory_space<hbm>> -> memref<3200xf32, #tpu.memory_space<hbm>>
    %dma_start3A_49 = tpu.memref_slice %arg2[%mul3A_47] : memref<6400000xf32, #tpu.memory_space<hbm>> -> memref<3200xf32, #tpu.memory_space<hbm>>
    tpu.enqueue_dma source(%dma_start3A_49 : memref<3200xf32, #tpu.memory_space<hbm>>) target(%arg14 : memref<3200xf32, #tpu.memory_space<vmem>>) target_semaphore(%arg27 : memref<!tpu.dma_semaphore, #tpu.memory_space<semaphore_mem>>)
    %dma_start3A_50 = tpu.memref_slice %arg3[%mul3A_47] : memref<6400000xf32, #tpu.memory_space<hbm>> -> memref<3200xf32, #tpu.memory_space<hbm>>
    %dma_start3A_51 = tpu.memref_slice %arg3[%mul3A_47] : memref<6400000xf32, #tpu.memory_space<hbm>> -> memref<3200xf32, #tpu.memory_space<hbm>>
    tpu.enqueue_dma source(%dma_start3A_51 : memref<3200xf32, #tpu.memory_space<hbm>>) target(%arg15 : memref<3200xf32, #tpu.memory_space<vmem>>) target_semaphore(%arg27 : memref<!tpu.dma_semaphore, #tpu.memory_space<semaphore_mem>>)
    %dma_start3A_52 = tpu.memref_slice %arg4[%mul3A_47] : memref<6400000xf32, #tpu.memory_space<hbm>> -> memref<3200xf32, #tpu.memory_space<hbm>>
    %dma_start3A_53 = tpu.memref_slice %arg4[%mul3A_47] : memref<6400000xf32, #tpu.memory_space<hbm>> -> memref<3200xf32, #tpu.memory_space<hbm>>
    tpu.enqueue_dma source(%dma_start3A_53 : memref<3200xf32, #tpu.memory_space<hbm>>) target(%arg16 : memref<3200xf32, #tpu.memory_space<vmem>>) target_semaphore(%arg27 : memref<!tpu.dma_semaphore, #tpu.memory_space<semaphore_mem>>)
    %dma_start3A_54 = tpu.memref_slice %arg5[%mul3A_47] : memref<6400000xi32, #tpu.memory_space<hbm>> -> memref<3200xi32, #tpu.memory_space<hbm>>
    %dma_start3A_55 = tpu.memref_slice %arg5[%mul3A_47] : memref<6400000xi32, #tpu.memory_space<hbm>> -> memref<3200xi32, #tpu.memory_space<hbm>>
    tpu.enqueue_dma source(%dma_start3A_55 : memref<3200xi32, #tpu.memory_space<hbm>>) target(%arg17 : memref<3200xi32, #tpu.memory_space<vmem>>) target_semaphore(%arg27 : memref<!tpu.dma_semaphore, #tpu.memory_space<semaphore_mem>>)
    %dma_start3A_56 = tpu.memref_slice %arg6[%mul3A_47] : memref<6400000xi32, #tpu.memory_space<hbm>> -> memref<3200xi32, #tpu.memory_space<hbm>>
    %dma_start3A_57 = tpu.memref_slice %arg6[%mul3A_47] : memref<6400000xi32, #tpu.memory_space<hbm>> -> memref<3200xi32, #tpu.memory_space<hbm>>
    tpu.enqueue_dma source(%dma_start3A_57 : memref<3200xi32, #tpu.memory_space<hbm>>) target(%arg18 : memref<3200xi32, #tpu.memory_space<vmem>>) target_semaphore(%arg27 : memref<!tpu.dma_semaphore, #tpu.memory_space<semaphore_mem>>)
    %add3A_58 = arith.constant 1 : i32
    %add3A_59 = arith.addi %select_n3A, %add3A_58 : i32
    %jit3A_60 = arith.constant 2 : i32
    %div3A_61 = arith.divsi %add3A_59, %jit3A_60 : i32
    %sign3A_62 = arith.constant 0 : i32
    %sign3A_63 = arith.cmpi sgt, %add3A_59, %sign3A_62 : i32
    %sign3A_64 = arith.extui %sign3A_63 : i1 to i32
    %sign3A_65 = arith.constant 0 : i32
    %sign3A_66 = arith.cmpi slt, %add3A_59, %sign3A_65 : i32
    %sign3A_67 = arith.extui %sign3A_66 : i1 to i32
    %sign3A_68 = arith.subi %sign3A_64, %sign3A_67 : i32
    %sign3A_69 = arith.constant 0 : i32
    %sign3A_70 = arith.cmpi sgt, %jit3A_60, %sign3A_69 : i32
    %sign3A_71 = arith.extui %sign3A_70 : i1 to i32
    %sign3A_72 = arith.constant 0 : i32
    %sign3A_73 = arith.cmpi slt, %jit3A_60, %sign3A_72 : i32
    %sign3A_74 = arith.extui %sign3A_73 : i1 to i32
    %sign3A_75 = arith.subi %sign3A_71, %sign3A_74 : i32
    %ne3A_76 = arith.cmpi ne, %sign3A_68, %sign3A_75 : i32
    %rem3A_77 = arith.remsi %add3A_59, %jit3A_60 : i32
    %ne3A_78 = arith.constant 0 : i32
    %ne3A_79 = arith.cmpi ne, %rem3A_77, %ne3A_78 : i32
    %and3A_80 = arith.andi %ne3A_76, %ne3A_79 : i1
    %sub3A_81 = arith.constant 1 : i32
    %sub3A_82 = arith.subi %div3A_61, %sub3A_81 : i32
    %select_n3A_83 = arith.select %and3A_80, %sub3A_82, %div3A_61 : i32
    %while3A = arith.constant 0 : i32
    %while3A_84 = arith.constant 0 : i32
    %while3A_85 = arith.subi %select_n3A_83, %while3A_84 : i32
    %while3A_86 = arith.addi %while3A_84, %while3A_85 : i32
    %while3A_87 = arith.constant 1 : i32
    %while3A_88 = arith.divsi %while3A_85, %while3A_87 : i32
    %while3A_89 = arith.muli %while3A_88, %while3A_87 : i32
    %while3A_90 = arith.addi %while3A_84, %while3A_89 : i32
    %while3A_91 = arith.constant 1 : i32
    scf.for %while3A_108 = %while3A_84 to %while3A_90 step %while3A_91  : i32 {
      %mul3A_109 = arith.constant 2 : i32
      %mul3A_110 = arith.muli %mul3A_109, %while3A_108 : i32
      %mul3A_111 = arith.constant 32 : i32
      %mul3A_112 = arith.muli %mul3A_110, %mul3A_111 : i32
      %add3A_113 = arith.addi %add3A, %mul3A_112 : i32
      %mul3A_114 = arith.constant 3200 : i32
      %mul3A_115 = arith.muli %add3A_113, %mul3A_114 : i32
      %dma_wait3A_116 = tpu.memref_slice %arg2[%mul3A_115] : memref<6400000xf32, #tpu.memory_space<hbm>> -> memref<3200xf32, #tpu.memory_space<hbm>>
      %dma_wait3A_117 = tpu.memref_slice %arg2[%mul3A_115] : memref<6400000xf32, #tpu.memory_space<hbm>> -> memref<3200xf32, #tpu.memory_space<hbm>>
      tpu.wait_dma2 semaphore(%arg26 : memref<!tpu.dma_semaphore, #tpu.memory_space<semaphore_mem>>) src(%dma_wait3A_117 : memref<3200xf32, #tpu.memory_space<hbm>>) dst(%arg9 : memref<3200xf32, #tpu.memory_space<vmem>>)
      %dma_wait3A_118 = tpu.memref_slice %arg3[%mul3A_115] : memref<6400000xf32, #tpu.memory_space<hbm>> -> memref<3200xf32, #tpu.memory_space<hbm>>
      %dma_wait3A_119 = tpu.memref_slice %arg3[%mul3A_115] : memref<6400000xf32, #tpu.memory_space<hbm>> -> memref<3200xf32, #tpu.memory_space<hbm>>
      tpu.wait_dma2 semaphore(%arg26 : memref<!tpu.dma_semaphore, #tpu.memory_space<semaphore_mem>>) src(%dma_wait3A_119 : memref<3200xf32, #tpu.memory_space<hbm>>) dst(%arg10 : memref<3200xf32, #tpu.memory_space<vmem>>)
      %dma_wait3A_120 = tpu.memref_slice %arg4[%mul3A_115] : memref<6400000xf32, #tpu.memory_space<hbm>> -> memref<3200xf32, #tpu.memory_space<hbm>>
      %dma_wait3A_121 = tpu.memref_slice %arg4[%mul3A_115] : memref<6400000xf32, #tpu.memory_space<hbm>> -> memref<3200xf32, #tpu.memory_space<hbm>>
      tpu.wait_dma2 semaphore(%arg26 : memref<!tpu.dma_semaphore, #tpu.memory_space<semaphore_mem>>) src(%dma_wait3A_121 : memref<3200xf32, #tpu.memory_space<hbm>>) dst(%arg11 : memref<3200xf32, #tpu.memory_space<vmem>>)
      %dma_wait3A_122 = tpu.memref_slice %arg5[%mul3A_115] : memref<6400000xi32, #tpu.memory_space<hbm>> -> memref<3200xi32, #tpu.memory_space<hbm>>
      %dma_wait3A_123 = tpu.memref_slice %arg5[%mul3A_115] : memref<6400000xi32, #tpu.memory_space<hbm>> -> memref<3200xi32, #tpu.memory_space<hbm>>
      tpu.wait_dma2 semaphore(%arg26 : memref<!tpu.dma_semaphore, #tpu.memory_space<semaphore_mem>>) src(%dma_wait3A_123 : memref<3200xi32, #tpu.memory_space<hbm>>) dst(%arg12 : memref<3200xi32, #tpu.memory_space<vmem>>)
      %dma_wait3A_124 = tpu.memref_slice %arg6[%mul3A_115] : memref<6400000xi32, #tpu.memory_space<hbm>> -> memref<3200xi32, #tpu.memory_space<hbm>>
      %dma_wait3A_125 = tpu.memref_slice %arg6[%mul3A_115] : memref<6400000xi32, #tpu.memory_space<hbm>> -> memref<3200xi32, #tpu.memory_space<hbm>>
      tpu.wait_dma2 semaphore(%arg26 : memref<!tpu.dma_semaphore, #tpu.memory_space<semaphore_mem>>) src(%dma_wait3A_125 : memref<3200xi32, #tpu.memory_space<hbm>>) dst(%arg13 : memref<3200xi32, #tpu.memory_space<vmem>>)
      %ge3A = arith.constant 2 : i32
      %ge3A_126 = arith.cmpi sge, %mul3A_110, %ge3A : i32
      %convert_element_type3A_127 = arith.extui %ge3A_126 : i1 to i32
      %cond3A_128 = arith.constant 0 : i32
      %cond3A_129 = arith.cmpi ne, %convert_element_type3A_127, %cond3A_128 : i32
      scf.if %cond3A_129 {
        %dma_wait3A_153 = arith.constant 0 : i32
        %dma_wait3A_154 = tpu.memref_slice %arg23[%dma_wait3A_153] : memref<300288xf32, #tpu.memory_space<vmem_shared>> -> memref<19200xf32, #tpu.memory_space<vmem_shared>>
        %dma_wait3A_155 = arith.constant 0 : i32
        %dma_wait3A_156 = tpu.memref_slice %arg23[%dma_wait3A_155] : memref<300288xf32, #tpu.memory_space<vmem_shared>> -> memref<19200xf32, #tpu.memory_space<vmem_shared>>
        tpu.wait_dma2 semaphore(%arg24 : memref<!tpu.dma_semaphore, #tpu.memory_space<semaphore_mem>>) src(%arg19 : memref<19200xf32, #tpu.memory_space<vmem>>) dst(%dma_wait3A_156 : memref<19200xf32, #tpu.memory_space<vmem_shared>>)
      } else {
      }
      %scan3A_130 = arith.constant 0 : i32
      %scan3A_131 = arith.constant 0 : i32
      %scan3A_132 = arith.constant 200 : i32
      %scan3A_133 = arith.addi %scan3A_131, %scan3A_132 : i32
      %scan3A_134 = arith.constant 1 : i32
      scf.for %scan3A_153 = %scan3A_131 to %scan3A_133 step %scan3A_134  : i32 {
        %mul3A_154 = arith.constant 16 : i32
        %mul3A_155 = arith.muli %scan3A_153, %mul3A_154 : i32
        %get3A = arith.index_cast %mul3A_155 : i32 to index
        %get3A_156 = tpu.vector_load %arg12[%get3A] {strides = array<i32>} : memref<3200xi32, #tpu.memory_space<vmem>>, vector<16xi32>,
        %get3A_157 = arith.index_cast %mul3A_155 : i32 to index
        %get3A_158 = tpu.vector_load %arg13[%get3A_157] {strides = array<i32>} : memref<3200xi32, #tpu.memory_space<vmem>>, vector<16xi32>,
        %get3A_159 = arith.index_cast %mul3A_155 : i32 to index
        %get3A_160 = tpu.vector_load %arg9[%get3A_159] {strides = array<i32>} : memref<3200xf32, #tpu.memory_space<vmem>>, vector<16xf32>,
        %get3A_161 = arith.index_cast %mul3A_155 : i32 to index
        %get3A_162 = tpu.vector_load %arg10[%get3A_161] {strides = array<i32>} : memref<3200xf32, #tpu.memory_space<vmem>>, vector<16xf32>,
        %get3A_163 = arith.index_cast %mul3A_155 : i32 to index
        %get3A_164 = tpu.vector_load %arg11[%get3A_163] {strides = array<i32>} : memref<3200xf32, #tpu.memory_space<vmem>>, vector<16xf32>,
        %mul3A_165 = arith.mulf %get3A_160, %get3A_160 : vector<16xf32>
        %mul3A_166 = arith.mulf %get3A_162, %get3A_162 : vector<16xf32>
        %add3A_167 = arith.addf %mul3A_165, %mul3A_166 : vector<16xf32>
        %mul3A_168 = arith.mulf %get3A_164, %get3A_164 : vector<16xf32>
        %add3A_169 = arith.addf %add3A_167, %mul3A_168 : vector<16xf32>
        %neg3A = arith.constant 0.000000e+00 : f32
        %neg3A_170 = vector.broadcast %neg3A : f32 to vector<16xf32>
        %neg3A_171 = arith.subf %neg3A_170, %add3A_169 : vector<16xf32>
        %exp3A = math.exp %neg3A_171 : vector<16xf32>
        %mul3A_172 = arith.constant -2.000000e+00 : f32
        %mul3A_173 = vector.broadcast %mul3A_172 : f32 to vector<16xf32>
        %mul3A_174 = arith.mulf %mul3A_173, %exp3A : vector<16xf32>
        %jit3A_175 = arith.constant 8 : i32
        %div3A_176 = arith.divsi %scan3A_153, %jit3A_175 : i32
        %sign3A_177 = arith.constant 0 : i32
        %sign3A_178 = arith.cmpi sgt, %scan3A_153, %sign3A_177 : i32
        %sign3A_179 = arith.extui %sign3A_178 : i1 to i32
        %sign3A_180 = arith.constant 0 : i32
        %sign3A_181 = arith.cmpi slt, %scan3A_153, %sign3A_180 : i32
        %sign3A_182 = arith.extui %sign3A_181 : i1 to i32
        %sign3A_183 = arith.subi %sign3A_179, %sign3A_182 : i32
        %sign3A_184 = arith.constant 0 : i32
        %sign3A_185 = arith.cmpi sgt, %jit3A_175, %sign3A_184 : i32
        %sign3A_186 = arith.extui %sign3A_185 : i1 to i32
        %sign3A_187 = arith.constant 0 : i32
        %sign3A_188 = arith.cmpi slt, %jit3A_175, %sign3A_187 : i32
        %sign3A_189 = arith.extui %sign3A_188 : i1 to i32
        %sign3A_190 = arith.subi %sign3A_186, %sign3A_189 : i32
        %ne3A_191 = arith.cmpi ne, %sign3A_183, %sign3A_190 : i32
        %rem3A_192 = arith.remsi %scan3A_153, %jit3A_175 : i32
        %ne3A_193 = arith.constant 0 : i32
        %ne3A_194 = arith.cmpi ne, %rem3A_192, %ne3A_193 : i32
        %and3A_195 = arith.andi %ne3A_191, %ne3A_194 : i1
        %sub3A_196 = arith.constant 1 : i32
        %sub3A_197 = arith.subi %div3A_176, %sub3A_196 : i32
        %select_n3A_198 = arith.select %and3A_195, %sub3A_197, %div3A_176 : i32
        %jit3A_199 = arith.constant 128 : i32
        %eq3A_200 = arith.constant 0 : i32
        %eq3A_201 = arith.cmpi eq, %jit3A_199, %eq3A_200 : i32
        %jit3A_202 = arith.constant 1 : i32
        %select_n3A_203 = arith.select %eq3A_201, %jit3A_202, %jit3A_199 : i32
        %rem3A_204 = arith.remsi %mul3A_155, %select_n3A_203 : i32
        %ne3A_205 = arith.constant 0 : i32
        %ne3A_206 = arith.cmpi ne, %rem3A_204, %ne3A_205 : i32
        %lt3A_207 = arith.constant 0 : i32
        %lt3A_208 = arith.cmpi slt, %rem3A_204, %lt3A_207 : i32
        %lt3A_209 = arith.constant 0 : i32
        %lt3A_210 = arith.cmpi slt, %select_n3A_203, %lt3A_209 : i32
        %ne3A_211 = arith.xori %lt3A_208, %lt3A_210 : i1
        %and3A_212 = arith.andi %ne3A_211, %ne3A_206 : i1
        %add3A_213 = arith.addi %rem3A_204, %select_n3A_203 : i32
        %select_n3A_214 = arith.select %and3A_212, %add3A_213, %rem3A_204 : i32
        %add3A_215 = vector.broadcast %select_n3A_214 : i32 to vector<16xi32>
        %add3A_216 = arith.addi %add3A_215, %iota3A : vector<16xi32>
        %mul3A_217 = arith.mulf %mul3A_174, %get3A_160 : vector<16xf32>
        %mul3A_218 = arith.mulf %mul3A_174, %get3A_162 : vector<16xf32>
        %mul3A_219 = arith.mulf %mul3A_174, %get3A_164 : vector<16xf32>
        %add3A_220 = arith.constant 0 : i32
        %add3A_221 = arith.addi %add3A_220, %mul3A_155 : i32
        %swap3A = arith.index_cast %add3A_221 : i32 to index
        %swap3A_222 = tpu.vector_load %arg19[%swap3A] {strides = array<i32>} : memref<19200xf32, #tpu.memory_space<vmem>>, vector<16xf32>,
        tpu.vector_store %arg19[%swap3A], %mul3A_217 {strides = array<i32>} : memref<19200xf32, #tpu.memory_space<vmem>>, vector<16xf32>,
        %neg3A_223 = arith.constant 0.000000e+00 : f32
        %neg3A_224 = vector.broadcast %neg3A_223 : f32 to vector<16xf32>
        %neg3A_225 = arith.subf %neg3A_224, %mul3A_217 : vector<16xf32>
        %add3A_226 = arith.constant 9600 : i32
        %add3A_227 = arith.addi %add3A_226, %mul3A_155 : i32
        %swap3A_228 = arith.index_cast %add3A_227 : i32 to index
        %swap3A_229 = tpu.vector_load %arg19[%swap3A_228] {strides = array<i32>} : memref<19200xf32, #tpu.memory_space<vmem>>, vector<16xf32>,
        tpu.vector_store %arg19[%swap3A_228], %neg3A_225 {strides = array<i32>} : memref<19200xf32, #tpu.memory_space<vmem>>, vector<16xf32>,
        %add3A_230 = arith.constant 0 : i32
        %add3A_231 = arith.addi %add3A_230, %select_n3A_198 : i32
        %broadcast_in_dim3A_232 = vector.broadcast %add3A_231 : i32 to vector<16xi32>
        %add3A_233 = arith.constant 0 : i32
        %add3A_234 = vector.broadcast %add3A_233 : i32 to vector<16xi32>
        %add3A_235 = arith.addi %get3A_156, %add3A_234 : vector<16xi32>
        tpu.vector_store_idx %arg21[%broadcast_in_dim3A_232, %add3A_216], %add3A_235 : memref<150x128xi32, #tpu.memory_space<vmem>>[vector<16xi32>, vector<16xi32>], vector<16xi32>,
        %add3A_236 = arith.constant 75 : i32
        %add3A_237 = arith.addi %add3A_236, %select_n3A_198 : i32
        %broadcast_in_dim3A_238 = vector.broadcast %add3A_237 : i32 to vector<16xi32>
        %add3A_239 = arith.constant 0 : i32
        %add3A_240 = vector.broadcast %add3A_239 : i32 to vector<16xi32>
        %add3A_241 = arith.addi %get3A_158, %add3A_240 : vector<16xi32>
        tpu.vector_store_idx %arg21[%broadcast_in_dim3A_238, %add3A_216], %add3A_241 : memref<150x128xi32, #tpu.memory_space<vmem>>[vector<16xi32>, vector<16xi32>], vector<16xi32>,
        %add3A_242 = arith.constant 3200 : i32
        %add3A_243 = arith.addi %add3A_242, %mul3A_155 : i32
        %swap3A_244 = arith.index_cast %add3A_243 : i32 to index
        %swap3A_245 = tpu.vector_load %arg19[%swap3A_244] {strides = array<i32>} : memref<19200xf32, #tpu.memory_space<vmem>>, vector<16xf32>,
        tpu.vector_store %arg19[%swap3A_244], %mul3A_218 {strides = array<i32>} : memref<19200xf32, #tpu.memory_space<vmem>>, vector<16xf32>,
        %neg3A_246 = arith.constant 0.000000e+00 : f32
        %neg3A_247 = vector.broadcast %neg3A_246 : f32 to vector<16xf32>
        %neg3A_248 = arith.subf %neg3A_247, %mul3A_218 : vector<16xf32>
        %add3A_249 = arith.constant 12800 : i32
        %add3A_250 = arith.addi %add3A_249, %mul3A_155 : i32
        %swap3A_251 = arith.index_cast %add3A_250 : i32 to index
        %swap3A_252 = tpu.vector_load %arg19[%swap3A_251] {strides = array<i32>} : memref<19200xf32, #tpu.memory_space<vmem>>, vector<16xf32>,
        tpu.vector_store %arg19[%swap3A_251], %neg3A_248 {strides = array<i32>} : memref<19200xf32, #tpu.memory_space<vmem>>, vector<16xf32>,
        %add3A_253 = arith.constant 25 : i32
        %add3A_254 = arith.addi %add3A_253, %select_n3A_198 : i32
        %broadcast_in_dim3A_255 = vector.broadcast %add3A_254 : i32 to vector<16xi32>
        %add3A_256 = arith.constant 100096 : i32
        %add3A_257 = vector.broadcast %add3A_256 : i32 to vector<16xi32>
        %add3A_258 = arith.addi %get3A_156, %add3A_257 : vector<16xi32>
        tpu.vector_store_idx %arg21[%broadcast_in_dim3A_255, %add3A_216], %add3A_258 : memref<150x128xi32, #tpu.memory_space<vmem>>[vector<16xi32>, vector<16xi32>], vector<16xi32>,
        %add3A_259 = arith.constant 100 : i32
        %add3A_260 = arith.addi %add3A_259, %select_n3A_198 : i32
        %broadcast_in_dim3A_261 = vector.broadcast %add3A_260 : i32 to vector<16xi32>
        %add3A_262 = arith.constant 100096 : i32
        %add3A_263 = vector.broadcast %add3A_262 : i32 to vector<16xi32>
        %add3A_264 = arith.addi %get3A_158, %add3A_263 : vector<16xi32>
        tpu.vector_store_idx %arg21[%broadcast_in_dim3A_261, %add3A_216], %add3A_264 : memref<150x128xi32, #tpu.memory_space<vmem>>[vector<16xi32>, vector<16xi32>], vector<16xi32>,
        %add3A_265 = arith.constant 6400 : i32
        %add3A_266 = arith.addi %add3A_265, %mul3A_155 : i32
        %swap3A_267 = arith.index_cast %add3A_266 : i32 to index
        %swap3A_268 = tpu.vector_load %arg19[%swap3A_267] {strides = array<i32>} : memref<19200xf32, #tpu.memory_space<vmem>>, vector<16xf32>,
        tpu.vector_store %arg19[%swap3A_267], %mul3A_219 {strides = array<i32>} : memref<19200xf32, #tpu.memory_space<vmem>>, vector<16xf32>,
        %neg3A_269 = arith.constant 0.000000e+00 : f32
        %neg3A_270 = vector.broadcast %neg3A_269 : f32 to vector<16xf32>
        %neg3A_271 = arith.subf %neg3A_270, %mul3A_219 : vector<16xf32>
        %add3A_272 = arith.constant 16000 : i32
        %add3A_273 = arith.addi %add3A_272, %mul3A_155 : i32
        %swap3A_274 = arith.index_cast %add3A_273 : i32 to index
        %swap3A_275 = tpu.vector_load %arg19[%swap3A_274] {strides = array<i32>} : memref<19200xf32, #tpu.memory_space<vmem>>, vector<16xf32>,
        tpu.vector_store %arg19[%swap3A_274], %neg3A_271 {strides = array<i32>} : memref<19200xf32, #tpu.memory_space<vmem>>, vector<16xf32>,
        %add3A_276 = arith.constant 50 : i32
        %add3A_277 = arith.addi %add3A_276, %select_n3A_198 : i32
        %broadcast_in_dim3A_278 = vector.broadcast %add3A_277 : i32 to vector<16xi32>
        %add3A_279 = arith.constant 200192 : i32
        %add3A_280 = vector.broadcast %add3A_279 : i32 to vector<16xi32>
        %add3A_281 = arith.addi %get3A_156, %add3A_280 : vector<16xi32>
        tpu.vector_store_idx %arg21[%broadcast_in_dim3A_278, %add3A_216], %add3A_281 : memref<150x128xi32, #tpu.memory_space<vmem>>[vector<16xi32>, vector<16xi32>], vector<16xi32>,
        %add3A_282 = arith.constant 125 : i32
        %add3A_283 = arith.addi %add3A_282, %select_n3A_198 : i32
        %broadcast_in_dim3A_284 = vector.broadcast %add3A_283 : i32 to vector<16xi32>
        %add3A_285 = arith.constant 200192 : i32
        %add3A_286 = vector.broadcast %add3A_285 : i32 to vector<16xi32>
        %add3A_287 = arith.addi %get3A_158, %add3A_286 : vector<16xi32>
        tpu.vector_store_idx %arg21[%broadcast_in_dim3A_284, %add3A_216], %add3A_287 : memref<150x128xi32, #tpu.memory_space<vmem>>[vector<16xi32>, vector<16xi32>], vector<16xi32>,
      }
      %scan3A_135 = arith.constant 200 : i32
      %add3A_136 = arith.constant 2 : i32
      %add3A_137 = arith.addi %mul3A_110, %add3A_136 : i32
      %lt3A = arith.cmpi slt, %add3A_137, %select_n3A : i32
      %convert_element_type3A_138 = arith.extui %lt3A : i1 to i32
      %cond3A_139 = arith.constant 0 : i32
      %cond3A_140 = arith.cmpi ne, %convert_element_type3A_138, %cond3A_139 : i32
      scf.if %cond3A_140 {
        %add3A_153 = arith.constant 2 : i32
        %add3A_154 = arith.addi %mul3A_110, %add3A_153 : i32
        %mul3A_155 = arith.constant 32 : i32
        %mul3A_156 = arith.muli %add3A_154, %mul3A_155 : i32
        %add3A_157 = arith.addi %add3A, %mul3A_156 : i32
        %mul3A_158 = arith.constant 3200 : i32
        %mul3A_159 = arith.muli %add3A_157, %mul3A_158 : i32
        %dma_start3A_160 = tpu.memref_slice %arg2[%mul3A_159] : memref<6400000xf32, #tpu.memory_space<hbm>> -> memref<3200xf32, #tpu.memory_space<hbm>>
        %dma_start3A_161 = tpu.memref_slice %arg2[%mul3A_159] : memref<6400000xf32, #tpu.memory_space<hbm>> -> memref<3200xf32, #tpu.memory_space<hbm>>
        tpu.enqueue_dma source(%dma_start3A_161 : memref<3200xf32, #tpu.memory_space<hbm>>) target(%arg9 : memref<3200xf32, #tpu.memory_space<vmem>>) target_semaphore(%arg26 : memref<!tpu.dma_semaphore, #tpu.memory_space<semaphore_mem>>)
        %dma_start3A_162 = tpu.memref_slice %arg3[%mul3A_159] : memref<6400000xf32, #tpu.memory_space<hbm>> -> memref<3200xf32, #tpu.memory_space<hbm>>
        %dma_start3A_163 = tpu.memref_slice %arg3[%mul3A_159] : memref<6400000xf32, #tpu.memory_space<hbm>> -> memref<3200xf32, #tpu.memory_space<hbm>>
        tpu.enqueue_dma source(%dma_start3A_163 : memref<3200xf32, #tpu.memory_space<hbm>>) target(%arg10 : memref<3200xf32, #tpu.memory_space<vmem>>) target_semaphore(%arg26 : memref<!tpu.dma_semaphore, #tpu.memory_space<semaphore_mem>>)
        %dma_start3A_164 = tpu.memref_slice %arg4[%mul3A_159] : memref<6400000xf32, #tpu.memory_space<hbm>> -> memref<3200xf32, #tpu.memory_space<hbm>>
        %dma_start3A_165 = tpu.memref_slice %arg4[%mul3A_159] : memref<6400000xf32, #tpu.memory_space<hbm>> -> memref<3200xf32, #tpu.memory_space<hbm>>
        tpu.enqueue_dma source(%dma_start3A_165 : memref<3200xf32, #tpu.memory_space<hbm>>) target(%arg11 : memref<3200xf32, #tpu.memory_space<vmem>>) target_semaphore(%arg26 : memref<!tpu.dma_semaphore, #tpu.memory_space<semaphore_mem>>)
        %dma_start3A_166 = tpu.memref_slice %arg5[%mul3A_159] : memref<6400000xi32, #tpu.memory_space<hbm>> -> memref<3200xi32, #tpu.memory_space<hbm>>
        %dma_start3A_167 = tpu.memref_slice %arg5[%mul3A_159] : memref<6400000xi32, #tpu.memory_space<hbm>> -> memref<3200xi32, #tpu.memory_space<hbm>>
        tpu.enqueue_dma source(%dma_start3A_167 : memref<3200xi32, #tpu.memory_space<hbm>>) target(%arg12 : memref<3200xi32, #tpu.memory_space<vmem>>) target_semaphore(%arg26 : memref<!tpu.dma_semaphore, #tpu.memory_space<semaphore_mem>>)
        %dma_start3A_168 = tpu.memref_slice %arg6[%mul3A_159] : memref<6400000xi32, #tpu.memory_space<hbm>> -> memref<3200xi32, #tpu.memory_space<hbm>>
        %dma_start3A_169 = tpu.memref_slice %arg6[%mul3A_159] : memref<6400000xi32, #tpu.memory_space<hbm>> -> memref<3200xi32, #tpu.memory_space<hbm>>
        tpu.enqueue_dma source(%dma_start3A_169 : memref<3200xi32, #tpu.memory_space<hbm>>) target(%arg13 : memref<3200xi32, #tpu.memory_space<vmem>>) target_semaphore(%arg26 : memref<!tpu.dma_semaphore, #tpu.memory_space<semaphore_mem>>)
      } else {
      }
      %scan3A_141 = arith.constant 0 : i32
      %scan3A_142 = arith.constant 0 : i32
      %scan3A_143 = arith.constant 150 : i32
      %scan3A_144 = arith.addi %scan3A_142, %scan3A_143 : i32
      %scan3A_145 = arith.constant 1 : i32
      scf.for %scan3A_153 = %scan3A_142 to %scan3A_144 step %scan3A_145  : i32 {
        %mul3A_154 = arith.constant 128 : i32
        %mul3A_155 = arith.muli %scan3A_153, %mul3A_154 : i32
        %dma_start3A_156 = tpu.memref_slice %arg19[%mul3A_155] : memref<19200xf32, #tpu.memory_space<vmem>> -> memref<128xf32, #tpu.memory_space<vmem>>
        %dma_start3A_157 = arith.constant 0 : i32
        %dma_start3A_158 = tpu.memref_slice %arg21[%scan3A_153, %dma_start3A_157] : memref<150x128xi32, #tpu.memory_space<vmem>> -> memref<1x128xi32, #tpu.memory_space<vmem>>
        %dma_start3A_159 = tpu.memref_squeeze %dma_start3A_158 : memref<1x128xi32, #tpu.memory_space<vmem>> -> memref<128xi32, #tpu.memory_space<vmem>>
        %dma_start3A_160 = arith.constant 0 : i32
        %dma_start3A_161 = tpu.memref_slice %arg23[%dma_start3A_160] : memref<300288xf32, #tpu.memory_space<vmem_shared>> -> memref<300288xf32, #tpu.memory_space<vmem_shared>>
        tpu.enqueue_indirect_dma source(%dma_start3A_156 : memref<128xf32, #tpu.memory_space<vmem>>) target(%dma_start3A_161 : memref<300288xf32, #tpu.memory_space<vmem_shared>>) offsets(%dma_start3A_159 : memref<128xi32, #tpu.memory_space<vmem>>) semaphore(%arg24 : memref<!tpu.dma_semaphore, #tpu.memory_space<semaphore_mem>>) {add = true}
      }
      %scan3A_146 = arith.constant 150 : i32
      %add3A_147 = arith.constant 1 : i32
      %add3A_148 = arith.addi %mul3A_110, %add3A_147 : i32
      %lt3A_149 = arith.cmpi slt, %add3A_148, %select_n3A : i32
      %convert_element_type3A_150 = arith.extui %lt3A_149 : i1 to i32
      %cond3A_151 = arith.constant 0 : i32
      %cond3A_152 = arith.cmpi ne, %convert_element_type3A_150, %cond3A_151 : i32
      scf.if %cond3A_152 {
        %add3A_153 = arith.constant 1 : i32
        %add3A_154 = arith.addi %mul3A_110, %add3A_153 : i32
        %mul3A_155 = arith.constant 32 : i32
        %mul3A_156 = arith.muli %add3A_154, %mul3A_155 : i32
        %add3A_157 = arith.addi %add3A, %mul3A_156 : i32
        %mul3A_158 = arith.constant 3200 : i32
        %mul3A_159 = arith.muli %add3A_157, %mul3A_158 : i32
        %dma_wait3A_160 = tpu.memref_slice %arg2[%mul3A_159] : memref<6400000xf32, #tpu.memory_space<hbm>> -> memref<3200xf32, #tpu.memory_space<hbm>>
        %dma_wait3A_161 = tpu.memref_slice %arg2[%mul3A_159] : memref<6400000xf32, #tpu.memory_space<hbm>> -> memref<3200xf32, #tpu.memory_space<hbm>>
        tpu.wait_dma2 semaphore(%arg27 : memref<!tpu.dma_semaphore, #tpu.memory_space<semaphore_mem>>) src(%dma_wait3A_161 : memref<3200xf32, #tpu.memory_space<hbm>>) dst(%arg14 : memref<3200xf32, #tpu.memory_space<vmem>>)
        %dma_wait3A_162 = tpu.memref_slice %arg3[%mul3A_159] : memref<6400000xf32, #tpu.memory_space<hbm>> -> memref<3200xf32, #tpu.memory_space<hbm>>
        %dma_wait3A_163 = tpu.memref_slice %arg3[%mul3A_159] : memref<6400000xf32, #tpu.memory_space<hbm>> -> memref<3200xf32, #tpu.memory_space<hbm>>
        tpu.wait_dma2 semaphore(%arg27 : memref<!tpu.dma_semaphore, #tpu.memory_space<semaphore_mem>>) src(%dma_wait3A_163 : memref<3200xf32, #tpu.memory_space<hbm>>) dst(%arg15 : memref<3200xf32, #tpu.memory_space<vmem>>)
        %dma_wait3A_164 = tpu.memref_slice %arg4[%mul3A_159] : memref<6400000xf32, #tpu.memory_space<hbm>> -> memref<3200xf32, #tpu.memory_space<hbm>>
        %dma_wait3A_165 = tpu.memref_slice %arg4[%mul3A_159] : memref<6400000xf32, #tpu.memory_space<hbm>> -> memref<3200xf32, #tpu.memory_space<hbm>>
        tpu.wait_dma2 semaphore(%arg27 : memref<!tpu.dma_semaphore, #tpu.memory_space<semaphore_mem>>) src(%dma_wait3A_165 : memref<3200xf32, #tpu.memory_space<hbm>>) dst(%arg16 : memref<3200xf32, #tpu.memory_space<vmem>>)
        %dma_wait3A_166 = tpu.memref_slice %arg5[%mul3A_159] : memref<6400000xi32, #tpu.memory_space<hbm>> -> memref<3200xi32, #tpu.memory_space<hbm>>
        %dma_wait3A_167 = tpu.memref_slice %arg5[%mul3A_159] : memref<6400000xi32, #tpu.memory_space<hbm>> -> memref<3200xi32, #tpu.memory_space<hbm>>
        tpu.wait_dma2 semaphore(%arg27 : memref<!tpu.dma_semaphore, #tpu.memory_space<semaphore_mem>>) src(%dma_wait3A_167 : memref<3200xi32, #tpu.memory_space<hbm>>) dst(%arg17 : memref<3200xi32, #tpu.memory_space<vmem>>)
        %dma_wait3A_168 = tpu.memref_slice %arg6[%mul3A_159] : memref<6400000xi32, #tpu.memory_space<hbm>> -> memref<3200xi32, #tpu.memory_space<hbm>>
        %dma_wait3A_169 = tpu.memref_slice %arg6[%mul3A_159] : memref<6400000xi32, #tpu.memory_space<hbm>> -> memref<3200xi32, #tpu.memory_space<hbm>>
        tpu.wait_dma2 semaphore(%arg27 : memref<!tpu.dma_semaphore, #tpu.memory_space<semaphore_mem>>) src(%dma_wait3A_169 : memref<3200xi32, #tpu.memory_space<hbm>>) dst(%arg18 : memref<3200xi32, #tpu.memory_space<vmem>>)
        %ge3A_170 = arith.constant 2 : i32
        %ge3A_171 = arith.cmpi sge, %add3A_154, %ge3A_170 : i32
        %convert_element_type3A_172 = arith.extui %ge3A_171 : i1 to i32
        %cond3A_173 = arith.constant 0 : i32
        %cond3A_174 = arith.cmpi ne, %convert_element_type3A_172, %cond3A_173 : i32
        scf.if %cond3A_174 {
          %dma_wait3A_193 = arith.constant 0 : i32
          %dma_wait3A_194 = tpu.memref_slice %arg23[%dma_wait3A_193] : memref<300288xf32, #tpu.memory_space<vmem_shared>> -> memref<19200xf32, #tpu.memory_space<vmem_shared>>
          %dma_wait3A_195 = arith.constant 0 : i32
          %dma_wait3A_196 = tpu.memref_slice %arg23[%dma_wait3A_195] : memref<300288xf32, #tpu.memory_space<vmem_shared>> -> memref<19200xf32, #tpu.memory_space<vmem_shared>>
          tpu.wait_dma2 semaphore(%arg25 : memref<!tpu.dma_semaphore, #tpu.memory_space<semaphore_mem>>) src(%arg20 : memref<19200xf32, #tpu.memory_space<vmem>>) dst(%dma_wait3A_196 : memref<19200xf32, #tpu.memory_space<vmem_shared>>)
        } else {
        }
        %scan3A_175 = arith.constant 0 : i32
        %scan3A_176 = arith.constant 0 : i32
        %scan3A_177 = arith.constant 200 : i32
        %scan3A_178 = arith.addi %scan3A_176, %scan3A_177 : i32
        %scan3A_179 = arith.constant 1 : i32
        scf.for %scan3A_193 = %scan3A_176 to %scan3A_178 step %scan3A_179  : i32 {
          %mul3A_194 = arith.constant 16 : i32
          %mul3A_195 = arith.muli %scan3A_193, %mul3A_194 : i32
          %get3A = arith.index_cast %mul3A_195 : i32 to index
          %get3A_196 = tpu.vector_load %arg17[%get3A] {strides = array<i32>} : memref<3200xi32, #tpu.memory_space<vmem>>, vector<16xi32>,
          %get3A_197 = arith.index_cast %mul3A_195 : i32 to index
          %get3A_198 = tpu.vector_load %arg18[%get3A_197] {strides = array<i32>} : memref<3200xi32, #tpu.memory_space<vmem>>, vector<16xi32>,
          %get3A_199 = arith.index_cast %mul3A_195 : i32 to index
          %get3A_200 = tpu.vector_load %arg14[%get3A_199] {strides = array<i32>} : memref<3200xf32, #tpu.memory_space<vmem>>, vector<16xf32>,
          %get3A_201 = arith.index_cast %mul3A_195 : i32 to index
          %get3A_202 = tpu.vector_load %arg15[%get3A_201] {strides = array<i32>} : memref<3200xf32, #tpu.memory_space<vmem>>, vector<16xf32>,
          %get3A_203 = arith.index_cast %mul3A_195 : i32 to index
          %get3A_204 = tpu.vector_load %arg16[%get3A_203] {strides = array<i32>} : memref<3200xf32, #tpu.memory_space<vmem>>, vector<16xf32>,
          %mul3A_205 = arith.mulf %get3A_200, %get3A_200 : vector<16xf32>
          %mul3A_206 = arith.mulf %get3A_202, %get3A_202 : vector<16xf32>
          %add3A_207 = arith.addf %mul3A_205, %mul3A_206 : vector<16xf32>
          %mul3A_208 = arith.mulf %get3A_204, %get3A_204 : vector<16xf32>
          %add3A_209 = arith.addf %add3A_207, %mul3A_208 : vector<16xf32>
          %neg3A = arith.constant 0.000000e+00 : f32
          %neg3A_210 = vector.broadcast %neg3A : f32 to vector<16xf32>
          %neg3A_211 = arith.subf %neg3A_210, %add3A_209 : vector<16xf32>
          %exp3A = math.exp %neg3A_211 : vector<16xf32>
          %mul3A_212 = arith.constant -2.000000e+00 : f32
          %mul3A_213 = vector.broadcast %mul3A_212 : f32 to vector<16xf32>
          %mul3A_214 = arith.mulf %mul3A_213, %exp3A : vector<16xf32>
          %jit3A_215 = arith.constant 8 : i32
          %div3A_216 = arith.divsi %scan3A_193, %jit3A_215 : i32
          %sign3A_217 = arith.constant 0 : i32
          %sign3A_218 = arith.cmpi sgt, %scan3A_193, %sign3A_217 : i32
          %sign3A_219 = arith.extui %sign3A_218 : i1 to i32
          %sign3A_220 = arith.constant 0 : i32
          %sign3A_221 = arith.cmpi slt, %scan3A_193, %sign3A_220 : i32
          %sign3A_222 = arith.extui %sign3A_221 : i1 to i32
          %sign3A_223 = arith.subi %sign3A_219, %sign3A_222 : i32
          %sign3A_224 = arith.constant 0 : i32
          %sign3A_225 = arith.cmpi sgt, %jit3A_215, %sign3A_224 : i32
          %sign3A_226 = arith.extui %sign3A_225 : i1 to i32
          %sign3A_227 = arith.constant 0 : i32
          %sign3A_228 = arith.cmpi slt, %jit3A_215, %sign3A_227 : i32
          %sign3A_229 = arith.extui %sign3A_228 : i1 to i32
          %sign3A_230 = arith.subi %sign3A_226, %sign3A_229 : i32
          %ne3A_231 = arith.cmpi ne, %sign3A_223, %sign3A_230 : i32
          %rem3A_232 = arith.remsi %scan3A_193, %jit3A_215 : i32
          %ne3A_233 = arith.constant 0 : i32
          %ne3A_234 = arith.cmpi ne, %rem3A_232, %ne3A_233 : i32
          %and3A_235 = arith.andi %ne3A_231, %ne3A_234 : i1
          %sub3A_236 = arith.constant 1 : i32
          %sub3A_237 = arith.subi %div3A_216, %sub3A_236 : i32
          %select_n3A_238 = arith.select %and3A_235, %sub3A_237, %div3A_216 : i32
          %jit3A_239 = arith.constant 128 : i32
          %eq3A_240 = arith.constant 0 : i32
          %eq3A_241 = arith.cmpi eq, %jit3A_239, %eq3A_240 : i32
          %jit3A_242 = arith.constant 1 : i32
          %select_n3A_243 = arith.select %eq3A_241, %jit3A_242, %jit3A_239 : i32
          %rem3A_244 = arith.remsi %mul3A_195, %select_n3A_243 : i32
          %ne3A_245 = arith.constant 0 : i32
          %ne3A_246 = arith.cmpi ne, %rem3A_244, %ne3A_245 : i32
          %lt3A_247 = arith.constant 0 : i32
          %lt3A_248 = arith.cmpi slt, %rem3A_244, %lt3A_247 : i32
          %lt3A_249 = arith.constant 0 : i32
          %lt3A_250 = arith.cmpi slt, %select_n3A_243, %lt3A_249 : i32
          %ne3A_251 = arith.xori %lt3A_248, %lt3A_250 : i1
          %and3A_252 = arith.andi %ne3A_251, %ne3A_246 : i1
          %add3A_253 = arith.addi %rem3A_244, %select_n3A_243 : i32
          %select_n3A_254 = arith.select %and3A_252, %add3A_253, %rem3A_244 : i32
          %add3A_255 = vector.broadcast %select_n3A_254 : i32 to vector<16xi32>
          %add3A_256 = arith.addi %add3A_255, %iota3A : vector<16xi32>
          %mul3A_257 = arith.mulf %mul3A_214, %get3A_200 : vector<16xf32>
          %mul3A_258 = arith.mulf %mul3A_214, %get3A_202 : vector<16xf32>
          %mul3A_259 = arith.mulf %mul3A_214, %get3A_204 : vector<16xf32>
          %add3A_260 = arith.constant 0 : i32
          %add3A_261 = arith.addi %add3A_260, %mul3A_195 : i32
          %swap3A = arith.index_cast %add3A_261 : i32 to index
          %swap3A_262 = tpu.vector_load %arg20[%swap3A] {strides = array<i32>} : memref<19200xf32, #tpu.memory_space<vmem>>, vector<16xf32>,
          tpu.vector_store %arg20[%swap3A], %mul3A_257 {strides = array<i32>} : memref<19200xf32, #tpu.memory_space<vmem>>, vector<16xf32>,
          %neg3A_263 = arith.constant 0.000000e+00 : f32
          %neg3A_264 = vector.broadcast %neg3A_263 : f32 to vector<16xf32>
          %neg3A_265 = arith.subf %neg3A_264, %mul3A_257 : vector<16xf32>
          %add3A_266 = arith.constant 9600 : i32
          %add3A_267 = arith.addi %add3A_266, %mul3A_195 : i32
          %swap3A_268 = arith.index_cast %add3A_267 : i32 to index
          %swap3A_269 = tpu.vector_load %arg20[%swap3A_268] {strides = array<i32>} : memref<19200xf32, #tpu.memory_space<vmem>>, vector<16xf32>,
          tpu.vector_store %arg20[%swap3A_268], %neg3A_265 {strides = array<i32>} : memref<19200xf32, #tpu.memory_space<vmem>>, vector<16xf32>,
          %add3A_270 = arith.constant 0 : i32
          %add3A_271 = arith.addi %add3A_270, %select_n3A_238 : i32
          %broadcast_in_dim3A_272 = vector.broadcast %add3A_271 : i32 to vector<16xi32>
          %add3A_273 = arith.constant 0 : i32
          %add3A_274 = vector.broadcast %add3A_273 : i32 to vector<16xi32>
          %add3A_275 = arith.addi %get3A_196, %add3A_274 : vector<16xi32>
          tpu.vector_store_idx %arg22[%broadcast_in_dim3A_272, %add3A_256], %add3A_275 : memref<150x128xi32, #tpu.memory_space<vmem>>[vector<16xi32>, vector<16xi32>], vector<16xi32>,
          %add3A_276 = arith.constant 75 : i32
          %add3A_277 = arith.addi %add3A_276, %select_n3A_238 : i32
          %broadcast_in_dim3A_278 = vector.broadcast %add3A_277 : i32 to vector<16xi32>
          %add3A_279 = arith.constant 0 : i32
          %add3A_280 = vector.broadcast %add3A_279 : i32 to vector<16xi32>
          %add3A_281 = arith.addi %get3A_198, %add3A_280 : vector<16xi32>
          tpu.vector_store_idx %arg22[%broadcast_in_dim3A_278, %add3A_256], %add3A_281 : memref<150x128xi32, #tpu.memory_space<vmem>>[vector<16xi32>, vector<16xi32>], vector<16xi32>,
          %add3A_282 = arith.constant 3200 : i32
          %add3A_283 = arith.addi %add3A_282, %mul3A_195 : i32
          %swap3A_284 = arith.index_cast %add3A_283 : i32 to index
          %swap3A_285 = tpu.vector_load %arg20[%swap3A_284] {strides = array<i32>} : memref<19200xf32, #tpu.memory_space<vmem>>, vector<16xf32>,
          tpu.vector_store %arg20[%swap3A_284], %mul3A_258 {strides = array<i32>} : memref<19200xf32, #tpu.memory_space<vmem>>, vector<16xf32>,
          %neg3A_286 = arith.constant 0.000000e+00 : f32
          %neg3A_287 = vector.broadcast %neg3A_286 : f32 to vector<16xf32>
          %neg3A_288 = arith.subf %neg3A_287, %mul3A_258 : vector<16xf32>
          %add3A_289 = arith.constant 12800 : i32
          %add3A_290 = arith.addi %add3A_289, %mul3A_195 : i32
          %swap3A_291 = arith.index_cast %add3A_290 : i32 to index
          %swap3A_292 = tpu.vector_load %arg20[%swap3A_291] {strides = array<i32>} : memref<19200xf32, #tpu.memory_space<vmem>>, vector<16xf32>,
          tpu.vector_store %arg20[%swap3A_291], %neg3A_288 {strides = array<i32>} : memref<19200xf32, #tpu.memory_space<vmem>>, vector<16xf32>,
          %add3A_293 = arith.constant 25 : i32
          %add3A_294 = arith.addi %add3A_293, %select_n3A_238 : i32
          %broadcast_in_dim3A_295 = vector.broadcast %add3A_294 : i32 to vector<16xi32>
          %add3A_296 = arith.constant 100096 : i32
          %add3A_297 = vector.broadcast %add3A_296 : i32 to vector<16xi32>
          %add3A_298 = arith.addi %get3A_196, %add3A_297 : vector<16xi32>
          tpu.vector_store_idx %arg22[%broadcast_in_dim3A_295, %add3A_256], %add3A_298 : memref<150x128xi32, #tpu.memory_space<vmem>>[vector<16xi32>, vector<16xi32>], vector<16xi32>,
          %add3A_299 = arith.constant 100 : i32
          %add3A_300 = arith.addi %add3A_299, %select_n3A_238 : i32
          %broadcast_in_dim3A_301 = vector.broadcast %add3A_300 : i32 to vector<16xi32>
          %add3A_302 = arith.constant 100096 : i32
          %add3A_303 = vector.broadcast %add3A_302 : i32 to vector<16xi32>
          %add3A_304 = arith.addi %get3A_198, %add3A_303 : vector<16xi32>
          tpu.vector_store_idx %arg22[%broadcast_in_dim3A_301, %add3A_256], %add3A_304 : memref<150x128xi32, #tpu.memory_space<vmem>>[vector<16xi32>, vector<16xi32>], vector<16xi32>,
          %add3A_305 = arith.constant 6400 : i32
          %add3A_306 = arith.addi %add3A_305, %mul3A_195 : i32
          %swap3A_307 = arith.index_cast %add3A_306 : i32 to index
          %swap3A_308 = tpu.vector_load %arg20[%swap3A_307] {strides = array<i32>} : memref<19200xf32, #tpu.memory_space<vmem>>, vector<16xf32>,
          tpu.vector_store %arg20[%swap3A_307], %mul3A_259 {strides = array<i32>} : memref<19200xf32, #tpu.memory_space<vmem>>, vector<16xf32>,
          %neg3A_309 = arith.constant 0.000000e+00 : f32
          %neg3A_310 = vector.broadcast %neg3A_309 : f32 to vector<16xf32>
          %neg3A_311 = arith.subf %neg3A_310, %mul3A_259 : vector<16xf32>
          %add3A_312 = arith.constant 16000 : i32
          %add3A_313 = arith.addi %add3A_312, %mul3A_195 : i32
          %swap3A_314 = arith.index_cast %add3A_313 : i32 to index
          %swap3A_315 = tpu.vector_load %arg20[%swap3A_314] {strides = array<i32>} : memref<19200xf32, #tpu.memory_space<vmem>>, vector<16xf32>,
          tpu.vector_store %arg20[%swap3A_314], %neg3A_311 {strides = array<i32>} : memref<19200xf32, #tpu.memory_space<vmem>>, vector<16xf32>,
          %add3A_316 = arith.constant 50 : i32
          %add3A_317 = arith.addi %add3A_316, %select_n3A_238 : i32
          %broadcast_in_dim3A_318 = vector.broadcast %add3A_317 : i32 to vector<16xi32>
          %add3A_319 = arith.constant 200192 : i32
          %add3A_320 = vector.broadcast %add3A_319 : i32 to vector<16xi32>
          %add3A_321 = arith.addi %get3A_196, %add3A_320 : vector<16xi32>
          tpu.vector_store_idx %arg22[%broadcast_in_dim3A_318, %add3A_256], %add3A_321 : memref<150x128xi32, #tpu.memory_space<vmem>>[vector<16xi32>, vector<16xi32>], vector<16xi32>,
          %add3A_322 = arith.constant 125 : i32
          %add3A_323 = arith.addi %add3A_322, %select_n3A_238 : i32
          %broadcast_in_dim3A_324 = vector.broadcast %add3A_323 : i32 to vector<16xi32>
          %add3A_325 = arith.constant 200192 : i32
          %add3A_326 = vector.broadcast %add3A_325 : i32 to vector<16xi32>
          %add3A_327 = arith.addi %get3A_198, %add3A_326 : vector<16xi32>
          tpu.vector_store_idx %arg22[%broadcast_in_dim3A_324, %add3A_256], %add3A_327 : memref<150x128xi32, #tpu.memory_space<vmem>>[vector<16xi32>, vector<16xi32>], vector<16xi32>,
        }
        %scan3A_180 = arith.constant 200 : i32
        %add3A_181 = arith.constant 2 : i32
        %add3A_182 = arith.addi %add3A_154, %add3A_181 : i32
        %lt3A_183 = arith.cmpi slt, %add3A_182, %select_n3A : i32
        %convert_element_type3A_184 = arith.extui %lt3A_183 : i1 to i32
        %cond3A_185 = arith.constant 0 : i32
        %cond3A_186 = arith.cmpi ne, %convert_element_type3A_184, %cond3A_185 : i32
        scf.if %cond3A_186 {
          %add3A_193 = arith.constant 2 : i32
          %add3A_194 = arith.addi %add3A_154, %add3A_193 : i32
          %mul3A_195 = arith.constant 32 : i32
          %mul3A_196 = arith.muli %add3A_194, %mul3A_195 : i32
          %add3A_197 = arith.addi %add3A, %mul3A_196 : i32
          %mul3A_198 = arith.constant 3200 : i32
          %mul3A_199 = arith.muli %add3A_197, %mul3A_198 : i32
          %dma_start3A_200 = tpu.memref_slice %arg2[%mul3A_199] : memref<6400000xf32, #tpu.memory_space<hbm>> -> memref<3200xf32, #tpu.memory_space<hbm>>
          %dma_start3A_201 = tpu.memref_slice %arg2[%mul3A_199] : memref<6400000xf32, #tpu.memory_space<hbm>> -> memref<3200xf32, #tpu.memory_space<hbm>>
          tpu.enqueue_dma source(%dma_start3A_201 : memref<3200xf32, #tpu.memory_space<hbm>>) target(%arg14 : memref<3200xf32, #tpu.memory_space<vmem>>) target_semaphore(%arg27 : memref<!tpu.dma_semaphore, #tpu.memory_space<semaphore_mem>>)
          %dma_start3A_202 = tpu.memref_slice %arg3[%mul3A_199] : memref<6400000xf32, #tpu.memory_space<hbm>> -> memref<3200xf32, #tpu.memory_space<hbm>>
          %dma_start3A_203 = tpu.memref_slice %arg3[%mul3A_199] : memref<6400000xf32, #tpu.memory_space<hbm>> -> memref<3200xf32, #tpu.memory_space<hbm>>
          tpu.enqueue_dma source(%dma_start3A_203 : memref<3200xf32, #tpu.memory_space<hbm>>) target(%arg15 : memref<3200xf32, #tpu.memory_space<vmem>>) target_semaphore(%arg27 : memref<!tpu.dma_semaphore, #tpu.memory_space<semaphore_mem>>)
          %dma_start3A_204 = tpu.memref_slice %arg4[%mul3A_199] : memref<6400000xf32, #tpu.memory_space<hbm>> -> memref<3200xf32, #tpu.memory_space<hbm>>
          %dma_start3A_205 = tpu.memref_slice %arg4[%mul3A_199] : memref<6400000xf32, #tpu.memory_space<hbm>> -> memref<3200xf32, #tpu.memory_space<hbm>>
          tpu.enqueue_dma source(%dma_start3A_205 : memref<3200xf32, #tpu.memory_space<hbm>>) target(%arg16 : memref<3200xf32, #tpu.memory_space<vmem>>) target_semaphore(%arg27 : memref<!tpu.dma_semaphore, #tpu.memory_space<semaphore_mem>>)
          %dma_start3A_206 = tpu.memref_slice %arg5[%mul3A_199] : memref<6400000xi32, #tpu.memory_space<hbm>> -> memref<3200xi32, #tpu.memory_space<hbm>>
          %dma_start3A_207 = tpu.memref_slice %arg5[%mul3A_199] : memref<6400000xi32, #tpu.memory_space<hbm>> -> memref<3200xi32, #tpu.memory_space<hbm>>
          tpu.enqueue_dma source(%dma_start3A_207 : memref<3200xi32, #tpu.memory_space<hbm>>) target(%arg17 : memref<3200xi32, #tpu.memory_space<vmem>>) target_semaphore(%arg27 : memref<!tpu.dma_semaphore, #tpu.memory_space<semaphore_mem>>)
          %dma_start3A_208 = tpu.memref_slice %arg6[%mul3A_199] : memref<6400000xi32, #tpu.memory_space<hbm>> -> memref<3200xi32, #tpu.memory_space<hbm>>
          %dma_start3A_209 = tpu.memref_slice %arg6[%mul3A_199] : memref<6400000xi32, #tpu.memory_space<hbm>> -> memref<3200xi32, #tpu.memory_space<hbm>>
          tpu.enqueue_dma source(%dma_start3A_209 : memref<3200xi32, #tpu.memory_space<hbm>>) target(%arg18 : memref<3200xi32, #tpu.memory_space<vmem>>) target_semaphore(%arg27 : memref<!tpu.dma_semaphore, #tpu.memory_space<semaphore_mem>>)
        } else {
        }
        %scan3A_187 = arith.constant 0 : i32
        %scan3A_188 = arith.constant 0 : i32
        %scan3A_189 = arith.constant 150 : i32
        %scan3A_190 = arith.addi %scan3A_188, %scan3A_189 : i32
        %scan3A_191 = arith.constant 1 : i32
        scf.for %scan3A_193 = %scan3A_188 to %scan3A_190 step %scan3A_191  : i32 {
          %mul3A_194 = arith.constant 128 : i32
          %mul3A_195 = arith.muli %scan3A_193, %mul3A_194 : i32
          %dma_start3A_196 = tpu.memref_slice %arg20[%mul3A_195] : memref<19200xf32, #tpu.memory_space<vmem>> -> memref<128xf32, #tpu.memory_space<vmem>>
          %dma_start3A_197 = arith.constant 0 : i32
          %dma_start3A_198 = tpu.memref_slice %arg22[%scan3A_193, %dma_start3A_197] : memref<150x128xi32, #tpu.memory_space<vmem>> -> memref<1x128xi32, #tpu.memory_space<vmem>>
          %dma_start3A_199 = tpu.memref_squeeze %dma_start3A_198 : memref<1x128xi32, #tpu.memory_space<vmem>> -> memref<128xi32, #tpu.memory_space<vmem>>
          %dma_start3A_200 = arith.constant 0 : i32
          %dma_start3A_201 = tpu.memref_slice %arg23[%dma_start3A_200] : memref<300288xf32, #tpu.memory_space<vmem_shared>> -> memref<300288xf32, #tpu.memory_space<vmem_shared>>
          tpu.enqueue_indirect_dma source(%dma_start3A_196 : memref<128xf32, #tpu.memory_space<vmem>>) target(%dma_start3A_201 : memref<300288xf32, #tpu.memory_space<vmem_shared>>) offsets(%dma_start3A_199 : memref<128xi32, #tpu.memory_space<vmem>>) semaphore(%arg25 : memref<!tpu.dma_semaphore, #tpu.memory_space<semaphore_mem>>) {add = true}
        }
        %scan3A_192 = arith.constant 150 : i32
      } else {
      }
    }
    %while3A_92 = arith.constant 1 : i32
    scf.for %while3A_108 = %while3A_90 to %while3A_86 step %while3A_92  : i32 {
      %mul3A_109 = arith.constant 2 : i32
      %mul3A_110 = arith.muli %mul3A_109, %while3A_108 : i32
      %mul3A_111 = arith.constant 32 : i32
      %mul3A_112 = arith.muli %mul3A_110, %mul3A_111 : i32
      %add3A_113 = arith.addi %add3A, %mul3A_112 : i32
      %mul3A_114 = arith.constant 3200 : i32
      %mul3A_115 = arith.muli %add3A_113, %mul3A_114 : i32
      %dma_wait3A_116 = tpu.memref_slice %arg2[%mul3A_115] : memref<6400000xf32, #tpu.memory_space<hbm>> -> memref<3200xf32, #tpu.memory_space<hbm>>
      %dma_wait3A_117 = tpu.memref_slice %arg2[%mul3A_115] : memref<6400000xf32, #tpu.memory_space<hbm>> -> memref<3200xf32, #tpu.memory_space<hbm>>
      tpu.wait_dma2 semaphore(%arg26 : memref<!tpu.dma_semaphore, #tpu.memory_space<semaphore_mem>>) src(%dma_wait3A_117 : memref<3200xf32, #tpu.memory_space<hbm>>) dst(%arg9 : memref<3200xf32, #tpu.memory_space<vmem>>)
      %dma_wait3A_118 = tpu.memref_slice %arg3[%mul3A_115] : memref<6400000xf32, #tpu.memory_space<hbm>> -> memref<3200xf32, #tpu.memory_space<hbm>>
      %dma_wait3A_119 = tpu.memref_slice %arg3[%mul3A_115] : memref<6400000xf32, #tpu.memory_space<hbm>> -> memref<3200xf32, #tpu.memory_space<hbm>>
      tpu.wait_dma2 semaphore(%arg26 : memref<!tpu.dma_semaphore, #tpu.memory_space<semaphore_mem>>) src(%dma_wait3A_119 : memref<3200xf32, #tpu.memory_space<hbm>>) dst(%arg10 : memref<3200xf32, #tpu.memory_space<vmem>>)
      %dma_wait3A_120 = tpu.memref_slice %arg4[%mul3A_115] : memref<6400000xf32, #tpu.memory_space<hbm>> -> memref<3200xf32, #tpu.memory_space<hbm>>
      %dma_wait3A_121 = tpu.memref_slice %arg4[%mul3A_115] : memref<6400000xf32, #tpu.memory_space<hbm>> -> memref<3200xf32, #tpu.memory_space<hbm>>
      tpu.wait_dma2 semaphore(%arg26 : memref<!tpu.dma_semaphore, #tpu.memory_space<semaphore_mem>>) src(%dma_wait3A_121 : memref<3200xf32, #tpu.memory_space<hbm>>) dst(%arg11 : memref<3200xf32, #tpu.memory_space<vmem>>)
      %dma_wait3A_122 = tpu.memref_slice %arg5[%mul3A_115] : memref<6400000xi32, #tpu.memory_space<hbm>> -> memref<3200xi32, #tpu.memory_space<hbm>>
      %dma_wait3A_123 = tpu.memref_slice %arg5[%mul3A_115] : memref<6400000xi32, #tpu.memory_space<hbm>> -> memref<3200xi32, #tpu.memory_space<hbm>>
      tpu.wait_dma2 semaphore(%arg26 : memref<!tpu.dma_semaphore, #tpu.memory_space<semaphore_mem>>) src(%dma_wait3A_123 : memref<3200xi32, #tpu.memory_space<hbm>>) dst(%arg12 : memref<3200xi32, #tpu.memory_space<vmem>>)
      %dma_wait3A_124 = tpu.memref_slice %arg6[%mul3A_115] : memref<6400000xi32, #tpu.memory_space<hbm>> -> memref<3200xi32, #tpu.memory_space<hbm>>
      %dma_wait3A_125 = tpu.memref_slice %arg6[%mul3A_115] : memref<6400000xi32, #tpu.memory_space<hbm>> -> memref<3200xi32, #tpu.memory_space<hbm>>
      tpu.wait_dma2 semaphore(%arg26 : memref<!tpu.dma_semaphore, #tpu.memory_space<semaphore_mem>>) src(%dma_wait3A_125 : memref<3200xi32, #tpu.memory_space<hbm>>) dst(%arg13 : memref<3200xi32, #tpu.memory_space<vmem>>)
      %ge3A = arith.constant 2 : i32
      %ge3A_126 = arith.cmpi sge, %mul3A_110, %ge3A : i32
      %convert_element_type3A_127 = arith.extui %ge3A_126 : i1 to i32
      %cond3A_128 = arith.constant 0 : i32
      %cond3A_129 = arith.cmpi ne, %convert_element_type3A_127, %cond3A_128 : i32
      scf.if %cond3A_129 {
        %dma_wait3A_153 = arith.constant 0 : i32
        %dma_wait3A_154 = tpu.memref_slice %arg23[%dma_wait3A_153] : memref<300288xf32, #tpu.memory_space<vmem_shared>> -> memref<19200xf32, #tpu.memory_space<vmem_shared>>
        %dma_wait3A_155 = arith.constant 0 : i32
        %dma_wait3A_156 = tpu.memref_slice %arg23[%dma_wait3A_155] : memref<300288xf32, #tpu.memory_space<vmem_shared>> -> memref<19200xf32, #tpu.memory_space<vmem_shared>>
        tpu.wait_dma2 semaphore(%arg24 : memref<!tpu.dma_semaphore, #tpu.memory_space<semaphore_mem>>) src(%arg19 : memref<19200xf32, #tpu.memory_space<vmem>>) dst(%dma_wait3A_156 : memref<19200xf32, #tpu.memory_space<vmem_shared>>)
      } else {
      }
      %scan3A_130 = arith.constant 0 : i32
      %scan3A_131 = arith.constant 0 : i32
      %scan3A_132 = arith.constant 200 : i32
      %scan3A_133 = arith.addi %scan3A_131, %scan3A_132 : i32
      %scan3A_134 = arith.constant 1 : i32
      scf.for %scan3A_153 = %scan3A_131 to %scan3A_133 step %scan3A_134  : i32 {
        %mul3A_154 = arith.constant 16 : i32
        %mul3A_155 = arith.muli %scan3A_153, %mul3A_154 : i32
        %get3A = arith.index_cast %mul3A_155 : i32 to index
        %get3A_156 = tpu.vector_load %arg12[%get3A] {strides = array<i32>} : memref<3200xi32, #tpu.memory_space<vmem>>, vector<16xi32>,
        %get3A_157 = arith.index_cast %mul3A_155 : i32 to index
        %get3A_158 = tpu.vector_load %arg13[%get3A_157] {strides = array<i32>} : memref<3200xi32, #tpu.memory_space<vmem>>, vector<16xi32>,
        %get3A_159 = arith.index_cast %mul3A_155 : i32 to index
        %get3A_160 = tpu.vector_load %arg9[%get3A_159] {strides = array<i32>} : memref<3200xf32, #tpu.memory_space<vmem>>, vector<16xf32>,
        %get3A_161 = arith.index_cast %mul3A_155 : i32 to index
        %get3A_162 = tpu.vector_load %arg10[%get3A_161] {strides = array<i32>} : memref<3200xf32, #tpu.memory_space<vmem>>, vector<16xf32>,
        %get3A_163 = arith.index_cast %mul3A_155 : i32 to index
        %get3A_164 = tpu.vector_load %arg11[%get3A_163] {strides = array<i32>} : memref<3200xf32, #tpu.memory_space<vmem>>, vector<16xf32>,
        %mul3A_165 = arith.mulf %get3A_160, %get3A_160 : vector<16xf32>
        %mul3A_166 = arith.mulf %get3A_162, %get3A_162 : vector<16xf32>
        %add3A_167 = arith.addf %mul3A_165, %mul3A_166 : vector<16xf32>
        %mul3A_168 = arith.mulf %get3A_164, %get3A_164 : vector<16xf32>
        %add3A_169 = arith.addf %add3A_167, %mul3A_168 : vector<16xf32>
        %neg3A = arith.constant 0.000000e+00 : f32
        %neg3A_170 = vector.broadcast %neg3A : f32 to vector<16xf32>
        %neg3A_171 = arith.subf %neg3A_170, %add3A_169 : vector<16xf32>
        %exp3A = math.exp %neg3A_171 : vector<16xf32>
        %mul3A_172 = arith.constant -2.000000e+00 : f32
        %mul3A_173 = vector.broadcast %mul3A_172 : f32 to vector<16xf32>
        %mul3A_174 = arith.mulf %mul3A_173, %exp3A : vector<16xf32>
        %jit3A_175 = arith.constant 8 : i32
        %div3A_176 = arith.divsi %scan3A_153, %jit3A_175 : i32
        %sign3A_177 = arith.constant 0 : i32
        %sign3A_178 = arith.cmpi sgt, %scan3A_153, %sign3A_177 : i32
        %sign3A_179 = arith.extui %sign3A_178 : i1 to i32
        %sign3A_180 = arith.constant 0 : i32
        %sign3A_181 = arith.cmpi slt, %scan3A_153, %sign3A_180 : i32
        %sign3A_182 = arith.extui %sign3A_181 : i1 to i32
        %sign3A_183 = arith.subi %sign3A_179, %sign3A_182 : i32
        %sign3A_184 = arith.constant 0 : i32
        %sign3A_185 = arith.cmpi sgt, %jit3A_175, %sign3A_184 : i32
        %sign3A_186 = arith.extui %sign3A_185 : i1 to i32
        %sign3A_187 = arith.constant 0 : i32
        %sign3A_188 = arith.cmpi slt, %jit3A_175, %sign3A_187 : i32
        %sign3A_189 = arith.extui %sign3A_188 : i1 to i32
        %sign3A_190 = arith.subi %sign3A_186, %sign3A_189 : i32
        %ne3A_191 = arith.cmpi ne, %sign3A_183, %sign3A_190 : i32
        %rem3A_192 = arith.remsi %scan3A_153, %jit3A_175 : i32
        %ne3A_193 = arith.constant 0 : i32
        %ne3A_194 = arith.cmpi ne, %rem3A_192, %ne3A_193 : i32
        %and3A_195 = arith.andi %ne3A_191, %ne3A_194 : i1
        %sub3A_196 = arith.constant 1 : i32
        %sub3A_197 = arith.subi %div3A_176, %sub3A_196 : i32
        %select_n3A_198 = arith.select %and3A_195, %sub3A_197, %div3A_176 : i32
        %jit3A_199 = arith.constant 128 : i32
        %eq3A_200 = arith.constant 0 : i32
        %eq3A_201 = arith.cmpi eq, %jit3A_199, %eq3A_200 : i32
        %jit3A_202 = arith.constant 1 : i32
        %select_n3A_203 = arith.select %eq3A_201, %jit3A_202, %jit3A_199 : i32
        %rem3A_204 = arith.remsi %mul3A_155, %select_n3A_203 : i32
        %ne3A_205 = arith.constant 0 : i32
        %ne3A_206 = arith.cmpi ne, %rem3A_204, %ne3A_205 : i32
        %lt3A_207 = arith.constant 0 : i32
        %lt3A_208 = arith.cmpi slt, %rem3A_204, %lt3A_207 : i32
        %lt3A_209 = arith.constant 0 : i32
        %lt3A_210 = arith.cmpi slt, %select_n3A_203, %lt3A_209 : i32
        %ne3A_211 = arith.xori %lt3A_208, %lt3A_210 : i1
        %and3A_212 = arith.andi %ne3A_211, %ne3A_206 : i1
        %add3A_213 = arith.addi %rem3A_204, %select_n3A_203 : i32
        %select_n3A_214 = arith.select %and3A_212, %add3A_213, %rem3A_204 : i32
        %add3A_215 = vector.broadcast %select_n3A_214 : i32 to vector<16xi32>
        %add3A_216 = arith.addi %add3A_215, %iota3A : vector<16xi32>
        %mul3A_217 = arith.mulf %mul3A_174, %get3A_160 : vector<16xf32>
        %mul3A_218 = arith.mulf %mul3A_174, %get3A_162 : vector<16xf32>
        %mul3A_219 = arith.mulf %mul3A_174, %get3A_164 : vector<16xf32>
        %add3A_220 = arith.constant 0 : i32
        %add3A_221 = arith.addi %add3A_220, %mul3A_155 : i32
        %swap3A = arith.index_cast %add3A_221 : i32 to index
        %swap3A_222 = tpu.vector_load %arg19[%swap3A] {strides = array<i32>} : memref<19200xf32, #tpu.memory_space<vmem>>, vector<16xf32>,
        tpu.vector_store %arg19[%swap3A], %mul3A_217 {strides = array<i32>} : memref<19200xf32, #tpu.memory_space<vmem>>, vector<16xf32>,
        %neg3A_223 = arith.constant 0.000000e+00 : f32
        %neg3A_224 = vector.broadcast %neg3A_223 : f32 to vector<16xf32>
        %neg3A_225 = arith.subf %neg3A_224, %mul3A_217 : vector<16xf32>
        %add3A_226 = arith.constant 9600 : i32
        %add3A_227 = arith.addi %add3A_226, %mul3A_155 : i32
        %swap3A_228 = arith.index_cast %add3A_227 : i32 to index
        %swap3A_229 = tpu.vector_load %arg19[%swap3A_228] {strides = array<i32>} : memref<19200xf32, #tpu.memory_space<vmem>>, vector<16xf32>,
        tpu.vector_store %arg19[%swap3A_228], %neg3A_225 {strides = array<i32>} : memref<19200xf32, #tpu.memory_space<vmem>>, vector<16xf32>,
        %add3A_230 = arith.constant 0 : i32
        %add3A_231 = arith.addi %add3A_230, %select_n3A_198 : i32
        %broadcast_in_dim3A_232 = vector.broadcast %add3A_231 : i32 to vector<16xi32>
        %add3A_233 = arith.constant 0 : i32
        %add3A_234 = vector.broadcast %add3A_233 : i32 to vector<16xi32>
        %add3A_235 = arith.addi %get3A_156, %add3A_234 : vector<16xi32>
        tpu.vector_store_idx %arg21[%broadcast_in_dim3A_232, %add3A_216], %add3A_235 : memref<150x128xi32, #tpu.memory_space<vmem>>[vector<16xi32>, vector<16xi32>], vector<16xi32>,
        %add3A_236 = arith.constant 75 : i32
        %add3A_237 = arith.addi %add3A_236, %select_n3A_198 : i32
        %broadcast_in_dim3A_238 = vector.broadcast %add3A_237 : i32 to vector<16xi32>
        %add3A_239 = arith.constant 0 : i32
        %add3A_240 = vector.broadcast %add3A_239 : i32 to vector<16xi32>
        %add3A_241 = arith.addi %get3A_158, %add3A_240 : vector<16xi32>
        tpu.vector_store_idx %arg21[%broadcast_in_dim3A_238, %add3A_216], %add3A_241 : memref<150x128xi32, #tpu.memory_space<vmem>>[vector<16xi32>, vector<16xi32>], vector<16xi32>,
        %add3A_242 = arith.constant 3200 : i32
        %add3A_243 = arith.addi %add3A_242, %mul3A_155 : i32
        %swap3A_244 = arith.index_cast %add3A_243 : i32 to index
        %swap3A_245 = tpu.vector_load %arg19[%swap3A_244] {strides = array<i32>} : memref<19200xf32, #tpu.memory_space<vmem>>, vector<16xf32>,
        tpu.vector_store %arg19[%swap3A_244], %mul3A_218 {strides = array<i32>} : memref<19200xf32, #tpu.memory_space<vmem>>, vector<16xf32>,
        %neg3A_246 = arith.constant 0.000000e+00 : f32
        %neg3A_247 = vector.broadcast %neg3A_246 : f32 to vector<16xf32>
        %neg3A_248 = arith.subf %neg3A_247, %mul3A_218 : vector<16xf32>
        %add3A_249 = arith.constant 12800 : i32
        %add3A_250 = arith.addi %add3A_249, %mul3A_155 : i32
        %swap3A_251 = arith.index_cast %add3A_250 : i32 to index
        %swap3A_252 = tpu.vector_load %arg19[%swap3A_251] {strides = array<i32>} : memref<19200xf32, #tpu.memory_space<vmem>>, vector<16xf32>,
        tpu.vector_store %arg19[%swap3A_251], %neg3A_248 {strides = array<i32>} : memref<19200xf32, #tpu.memory_space<vmem>>, vector<16xf32>,
        %add3A_253 = arith.constant 25 : i32
        %add3A_254 = arith.addi %add3A_253, %select_n3A_198 : i32
        %broadcast_in_dim3A_255 = vector.broadcast %add3A_254 : i32 to vector<16xi32>
        %add3A_256 = arith.constant 100096 : i32
        %add3A_257 = vector.broadcast %add3A_256 : i32 to vector<16xi32>
        %add3A_258 = arith.addi %get3A_156, %add3A_257 : vector<16xi32>
        tpu.vector_store_idx %arg21[%broadcast_in_dim3A_255, %add3A_216], %add3A_258 : memref<150x128xi32, #tpu.memory_space<vmem>>[vector<16xi32>, vector<16xi32>], vector<16xi32>,
        %add3A_259 = arith.constant 100 : i32
        %add3A_260 = arith.addi %add3A_259, %select_n3A_198 : i32
        %broadcast_in_dim3A_261 = vector.broadcast %add3A_260 : i32 to vector<16xi32>
        %add3A_262 = arith.constant 100096 : i32
        %add3A_263 = vector.broadcast %add3A_262 : i32 to vector<16xi32>
        %add3A_264 = arith.addi %get3A_158, %add3A_263 : vector<16xi32>
        tpu.vector_store_idx %arg21[%broadcast_in_dim3A_261, %add3A_216], %add3A_264 : memref<150x128xi32, #tpu.memory_space<vmem>>[vector<16xi32>, vector<16xi32>], vector<16xi32>,
        %add3A_265 = arith.constant 6400 : i32
        %add3A_266 = arith.addi %add3A_265, %mul3A_155 : i32
        %swap3A_267 = arith.index_cast %add3A_266 : i32 to index
        %swap3A_268 = tpu.vector_load %arg19[%swap3A_267] {strides = array<i32>} : memref<19200xf32, #tpu.memory_space<vmem>>, vector<16xf32>,
        tpu.vector_store %arg19[%swap3A_267], %mul3A_219 {strides = array<i32>} : memref<19200xf32, #tpu.memory_space<vmem>>, vector<16xf32>,
        %neg3A_269 = arith.constant 0.000000e+00 : f32
        %neg3A_270 = vector.broadcast %neg3A_269 : f32 to vector<16xf32>
        %neg3A_271 = arith.subf %neg3A_270, %mul3A_219 : vector<16xf32>
        %add3A_272 = arith.constant 16000 : i32
        %add3A_273 = arith.addi %add3A_272, %mul3A_155 : i32
        %swap3A_274 = arith.index_cast %add3A_273 : i32 to index
        %swap3A_275 = tpu.vector_load %arg19[%swap3A_274] {strides = array<i32>} : memref<19200xf32, #tpu.memory_space<vmem>>, vector<16xf32>,
        tpu.vector_store %arg19[%swap3A_274], %neg3A_271 {strides = array<i32>} : memref<19200xf32, #tpu.memory_space<vmem>>, vector<16xf32>,
        %add3A_276 = arith.constant 50 : i32
        %add3A_277 = arith.addi %add3A_276, %select_n3A_198 : i32
        %broadcast_in_dim3A_278 = vector.broadcast %add3A_277 : i32 to vector<16xi32>
        %add3A_279 = arith.constant 200192 : i32
        %add3A_280 = vector.broadcast %add3A_279 : i32 to vector<16xi32>
        %add3A_281 = arith.addi %get3A_156, %add3A_280 : vector<16xi32>
        tpu.vector_store_idx %arg21[%broadcast_in_dim3A_278, %add3A_216], %add3A_281 : memref<150x128xi32, #tpu.memory_space<vmem>>[vector<16xi32>, vector<16xi32>], vector<16xi32>,
        %add3A_282 = arith.constant 125 : i32
        %add3A_283 = arith.addi %add3A_282, %select_n3A_198 : i32
        %broadcast_in_dim3A_284 = vector.broadcast %add3A_283 : i32 to vector<16xi32>
        %add3A_285 = arith.constant 200192 : i32
        %add3A_286 = vector.broadcast %add3A_285 : i32 to vector<16xi32>
        %add3A_287 = arith.addi %get3A_158, %add3A_286 : vector<16xi32>
        tpu.vector_store_idx %arg21[%broadcast_in_dim3A_284, %add3A_216], %add3A_287 : memref<150x128xi32, #tpu.memory_space<vmem>>[vector<16xi32>, vector<16xi32>], vector<16xi32>,
      }
      %scan3A_135 = arith.constant 200 : i32
      %add3A_136 = arith.constant 2 : i32
      %add3A_137 = arith.addi %mul3A_110, %add3A_136 : i32
      %lt3A = arith.cmpi slt, %add3A_137, %select_n3A : i32
      %convert_element_type3A_138 = arith.extui %lt3A : i1 to i32
      %cond3A_139 = arith.constant 0 : i32
      %cond3A_140 = arith.cmpi ne, %convert_element_type3A_138, %cond3A_139 : i32
      scf.if %cond3A_140 {
        %add3A_153 = arith.constant 2 : i32
        %add3A_154 = arith.addi %mul3A_110, %add3A_153 : i32
        %mul3A_155 = arith.constant 32 : i32
        %mul3A_156 = arith.muli %add3A_154, %mul3A_155 : i32
        %add3A_157 = arith.addi %add3A, %mul3A_156 : i32
        %mul3A_158 = arith.constant 3200 : i32
        %mul3A_159 = arith.muli %add3A_157, %mul3A_158 : i32
        %dma_start3A_160 = tpu.memref_slice %arg2[%mul3A_159] : memref<6400000xf32, #tpu.memory_space<hbm>> -> memref<3200xf32, #tpu.memory_space<hbm>>
        %dma_start3A_161 = tpu.memref_slice %arg2[%mul3A_159] : memref<6400000xf32, #tpu.memory_space<hbm>> -> memref<3200xf32, #tpu.memory_space<hbm>>
        tpu.enqueue_dma source(%dma_start3A_161 : memref<3200xf32, #tpu.memory_space<hbm>>) target(%arg9 : memref<3200xf32, #tpu.memory_space<vmem>>) target_semaphore(%arg26 : memref<!tpu.dma_semaphore, #tpu.memory_space<semaphore_mem>>)
        %dma_start3A_162 = tpu.memref_slice %arg3[%mul3A_159] : memref<6400000xf32, #tpu.memory_space<hbm>> -> memref<3200xf32, #tpu.memory_space<hbm>>
        %dma_start3A_163 = tpu.memref_slice %arg3[%mul3A_159] : memref<6400000xf32, #tpu.memory_space<hbm>> -> memref<3200xf32, #tpu.memory_space<hbm>>
        tpu.enqueue_dma source(%dma_start3A_163 : memref<3200xf32, #tpu.memory_space<hbm>>) target(%arg10 : memref<3200xf32, #tpu.memory_space<vmem>>) target_semaphore(%arg26 : memref<!tpu.dma_semaphore, #tpu.memory_space<semaphore_mem>>)
        %dma_start3A_164 = tpu.memref_slice %arg4[%mul3A_159] : memref<6400000xf32, #tpu.memory_space<hbm>> -> memref<3200xf32, #tpu.memory_space<hbm>>
        %dma_start3A_165 = tpu.memref_slice %arg4[%mul3A_159] : memref<6400000xf32, #tpu.memory_space<hbm>> -> memref<3200xf32, #tpu.memory_space<hbm>>
        tpu.enqueue_dma source(%dma_start3A_165 : memref<3200xf32, #tpu.memory_space<hbm>>) target(%arg11 : memref<3200xf32, #tpu.memory_space<vmem>>) target_semaphore(%arg26 : memref<!tpu.dma_semaphore, #tpu.memory_space<semaphore_mem>>)
        %dma_start3A_166 = tpu.memref_slice %arg5[%mul3A_159] : memref<6400000xi32, #tpu.memory_space<hbm>> -> memref<3200xi32, #tpu.memory_space<hbm>>
        %dma_start3A_167 = tpu.memref_slice %arg5[%mul3A_159] : memref<6400000xi32, #tpu.memory_space<hbm>> -> memref<3200xi32, #tpu.memory_space<hbm>>
        tpu.enqueue_dma source(%dma_start3A_167 : memref<3200xi32, #tpu.memory_space<hbm>>) target(%arg12 : memref<3200xi32, #tpu.memory_space<vmem>>) target_semaphore(%arg26 : memref<!tpu.dma_semaphore, #tpu.memory_space<semaphore_mem>>)
        %dma_start3A_168 = tpu.memref_slice %arg6[%mul3A_159] : memref<6400000xi32, #tpu.memory_space<hbm>> -> memref<3200xi32, #tpu.memory_space<hbm>>
        %dma_start3A_169 = tpu.memref_slice %arg6[%mul3A_159] : memref<6400000xi32, #tpu.memory_space<hbm>> -> memref<3200xi32, #tpu.memory_space<hbm>>
        tpu.enqueue_dma source(%dma_start3A_169 : memref<3200xi32, #tpu.memory_space<hbm>>) target(%arg13 : memref<3200xi32, #tpu.memory_space<vmem>>) target_semaphore(%arg26 : memref<!tpu.dma_semaphore, #tpu.memory_space<semaphore_mem>>)
      } else {
      }
      %scan3A_141 = arith.constant 0 : i32
      %scan3A_142 = arith.constant 0 : i32
      %scan3A_143 = arith.constant 150 : i32
      %scan3A_144 = arith.addi %scan3A_142, %scan3A_143 : i32
      %scan3A_145 = arith.constant 1 : i32
      scf.for %scan3A_153 = %scan3A_142 to %scan3A_144 step %scan3A_145  : i32 {
        %mul3A_154 = arith.constant 128 : i32
        %mul3A_155 = arith.muli %scan3A_153, %mul3A_154 : i32
        %dma_start3A_156 = tpu.memref_slice %arg19[%mul3A_155] : memref<19200xf32, #tpu.memory_space<vmem>> -> memref<128xf32, #tpu.memory_space<vmem>>
        %dma_start3A_157 = arith.constant 0 : i32
        %dma_start3A_158 = tpu.memref_slice %arg21[%scan3A_153, %dma_start3A_157] : memref<150x128xi32, #tpu.memory_space<vmem>> -> memref<1x128xi32, #tpu.memory_space<vmem>>
        %dma_start3A_159 = tpu.memref_squeeze %dma_start3A_158 : memref<1x128xi32, #tpu.memory_space<vmem>> -> memref<128xi32, #tpu.memory_space<vmem>>
        %dma_start3A_160 = arith.constant 0 : i32
        %dma_start3A_161 = tpu.memref_slice %arg23[%dma_start3A_160] : memref<300288xf32, #tpu.memory_space<vmem_shared>> -> memref<300288xf32, #tpu.memory_space<vmem_shared>>
        tpu.enqueue_indirect_dma source(%dma_start3A_156 : memref<128xf32, #tpu.memory_space<vmem>>) target(%dma_start3A_161 : memref<300288xf32, #tpu.memory_space<vmem_shared>>) offsets(%dma_start3A_159 : memref<128xi32, #tpu.memory_space<vmem>>) semaphore(%arg24 : memref<!tpu.dma_semaphore, #tpu.memory_space<semaphore_mem>>) {add = true}
      }
      %scan3A_146 = arith.constant 150 : i32
      %add3A_147 = arith.constant 1 : i32
      %add3A_148 = arith.addi %mul3A_110, %add3A_147 : i32
      %lt3A_149 = arith.cmpi slt, %add3A_148, %select_n3A : i32
      %convert_element_type3A_150 = arith.extui %lt3A_149 : i1 to i32
      %cond3A_151 = arith.constant 0 : i32
      %cond3A_152 = arith.cmpi ne, %convert_element_type3A_150, %cond3A_151 : i32
      scf.if %cond3A_152 {
        %add3A_153 = arith.constant 1 : i32
        %add3A_154 = arith.addi %mul3A_110, %add3A_153 : i32
        %mul3A_155 = arith.constant 32 : i32
        %mul3A_156 = arith.muli %add3A_154, %mul3A_155 : i32
        %add3A_157 = arith.addi %add3A, %mul3A_156 : i32
        %mul3A_158 = arith.constant 3200 : i32
        %mul3A_159 = arith.muli %add3A_157, %mul3A_158 : i32
        %dma_wait3A_160 = tpu.memref_slice %arg2[%mul3A_159] : memref<6400000xf32, #tpu.memory_space<hbm>> -> memref<3200xf32, #tpu.memory_space<hbm>>
        %dma_wait3A_161 = tpu.memref_slice %arg2[%mul3A_159] : memref<6400000xf32, #tpu.memory_space<hbm>> -> memref<3200xf32, #tpu.memory_space<hbm>>
        tpu.wait_dma2 semaphore(%arg27 : memref<!tpu.dma_semaphore, #tpu.memory_space<semaphore_mem>>) src(%dma_wait3A_161 : memref<3200xf32, #tpu.memory_space<hbm>>) dst(%arg14 : memref<3200xf32, #tpu.memory_space<vmem>>)
        %dma_wait3A_162 = tpu.memref_slice %arg3[%mul3A_159] : memref<6400000xf32, #tpu.memory_space<hbm>> -> memref<3200xf32, #tpu.memory_space<hbm>>
        %dma_wait3A_163 = tpu.memref_slice %arg3[%mul3A_159] : memref<6400000xf32, #tpu.memory_space<hbm>> -> memref<3200xf32, #tpu.memory_space<hbm>>
        tpu.wait_dma2 semaphore(%arg27 : memref<!tpu.dma_semaphore, #tpu.memory_space<semaphore_mem>>) src(%dma_wait3A_163 : memref<3200xf32, #tpu.memory_space<hbm>>) dst(%arg15 : memref<3200xf32, #tpu.memory_space<vmem>>)
        %dma_wait3A_164 = tpu.memref_slice %arg4[%mul3A_159] : memref<6400000xf32, #tpu.memory_space<hbm>> -> memref<3200xf32, #tpu.memory_space<hbm>>
        %dma_wait3A_165 = tpu.memref_slice %arg4[%mul3A_159] : memref<6400000xf32, #tpu.memory_space<hbm>> -> memref<3200xf32, #tpu.memory_space<hbm>>
        tpu.wait_dma2 semaphore(%arg27 : memref<!tpu.dma_semaphore, #tpu.memory_space<semaphore_mem>>) src(%dma_wait3A_165 : memref<3200xf32, #tpu.memory_space<hbm>>) dst(%arg16 : memref<3200xf32, #tpu.memory_space<vmem>>)
        %dma_wait3A_166 = tpu.memref_slice %arg5[%mul3A_159] : memref<6400000xi32, #tpu.memory_space<hbm>> -> memref<3200xi32, #tpu.memory_space<hbm>>
        %dma_wait3A_167 = tpu.memref_slice %arg5[%mul3A_159] : memref<6400000xi32, #tpu.memory_space<hbm>> -> memref<3200xi32, #tpu.memory_space<hbm>>
        tpu.wait_dma2 semaphore(%arg27 : memref<!tpu.dma_semaphore, #tpu.memory_space<semaphore_mem>>) src(%dma_wait3A_167 : memref<3200xi32, #tpu.memory_space<hbm>>) dst(%arg17 : memref<3200xi32, #tpu.memory_space<vmem>>)
        %dma_wait3A_168 = tpu.memref_slice %arg6[%mul3A_159] : memref<6400000xi32, #tpu.memory_space<hbm>> -> memref<3200xi32, #tpu.memory_space<hbm>>
        %dma_wait3A_169 = tpu.memref_slice %arg6[%mul3A_159] : memref<6400000xi32, #tpu.memory_space<hbm>> -> memref<3200xi32, #tpu.memory_space<hbm>>
        tpu.wait_dma2 semaphore(%arg27 : memref<!tpu.dma_semaphore, #tpu.memory_space<semaphore_mem>>) src(%dma_wait3A_169 : memref<3200xi32, #tpu.memory_space<hbm>>) dst(%arg18 : memref<3200xi32, #tpu.memory_space<vmem>>)
        %ge3A_170 = arith.constant 2 : i32
        %ge3A_171 = arith.cmpi sge, %add3A_154, %ge3A_170 : i32
        %convert_element_type3A_172 = arith.extui %ge3A_171 : i1 to i32
        %cond3A_173 = arith.constant 0 : i32
        %cond3A_174 = arith.cmpi ne, %convert_element_type3A_172, %cond3A_173 : i32
        scf.if %cond3A_174 {
          %dma_wait3A_193 = arith.constant 0 : i32
          %dma_wait3A_194 = tpu.memref_slice %arg23[%dma_wait3A_193] : memref<300288xf32, #tpu.memory_space<vmem_shared>> -> memref<19200xf32, #tpu.memory_space<vmem_shared>>
          %dma_wait3A_195 = arith.constant 0 : i32
          %dma_wait3A_196 = tpu.memref_slice %arg23[%dma_wait3A_195] : memref<300288xf32, #tpu.memory_space<vmem_shared>> -> memref<19200xf32, #tpu.memory_space<vmem_shared>>
          tpu.wait_dma2 semaphore(%arg25 : memref<!tpu.dma_semaphore, #tpu.memory_space<semaphore_mem>>) src(%arg20 : memref<19200xf32, #tpu.memory_space<vmem>>) dst(%dma_wait3A_196 : memref<19200xf32, #tpu.memory_space<vmem_shared>>)
        } else {
        }
        %scan3A_175 = arith.constant 0 : i32
        %scan3A_176 = arith.constant 0 : i32
        %scan3A_177 = arith.constant 200 : i32
        %scan3A_178 = arith.addi %scan3A_176, %scan3A_177 : i32
        %scan3A_179 = arith.constant 1 : i32
        scf.for %scan3A_193 = %scan3A_176 to %scan3A_178 step %scan3A_179  : i32 {
          %mul3A_194 = arith.constant 16 : i32
          %mul3A_195 = arith.muli %scan3A_193, %mul3A_194 : i32
          %get3A = arith.index_cast %mul3A_195 : i32 to index
          %get3A_196 = tpu.vector_load %arg17[%get3A] {strides = array<i32>} : memref<3200xi32, #tpu.memory_space<vmem>>, vector<16xi32>,
          %get3A_197 = arith.index_cast %mul3A_195 : i32 to index
          %get3A_198 = tpu.vector_load %arg18[%get3A_197] {strides = array<i32>} : memref<3200xi32, #tpu.memory_space<vmem>>, vector<16xi32>,
          %get3A_199 = arith.index_cast %mul3A_195 : i32 to index
          %get3A_200 = tpu.vector_load %arg14[%get3A_199] {strides = array<i32>} : memref<3200xf32, #tpu.memory_space<vmem>>, vector<16xf32>,
          %get3A_201 = arith.index_cast %mul3A_195 : i32 to index
          %get3A_202 = tpu.vector_load %arg15[%get3A_201] {strides = array<i32>} : memref<3200xf32, #tpu.memory_space<vmem>>, vector<16xf32>,
          %get3A_203 = arith.index_cast %mul3A_195 : i32 to index
          %get3A_204 = tpu.vector_load %arg16[%get3A_203] {strides = array<i32>} : memref<3200xf32, #tpu.memory_space<vmem>>, vector<16xf32>,
          %mul3A_205 = arith.mulf %get3A_200, %get3A_200 : vector<16xf32>
          %mul3A_206 = arith.mulf %get3A_202, %get3A_202 : vector<16xf32>
          %add3A_207 = arith.addf %mul3A_205, %mul3A_206 : vector<16xf32>
          %mul3A_208 = arith.mulf %get3A_204, %get3A_204 : vector<16xf32>
          %add3A_209 = arith.addf %add3A_207, %mul3A_208 : vector<16xf32>
          %neg3A = arith.constant 0.000000e+00 : f32
          %neg3A_210 = vector.broadcast %neg3A : f32 to vector<16xf32>
          %neg3A_211 = arith.subf %neg3A_210, %add3A_209 : vector<16xf32>
          %exp3A = math.exp %neg3A_211 : vector<16xf32>
          %mul3A_212 = arith.constant -2.000000e+00 : f32
          %mul3A_213 = vector.broadcast %mul3A_212 : f32 to vector<16xf32>
          %mul3A_214 = arith.mulf %mul3A_213, %exp3A : vector<16xf32>
          %jit3A_215 = arith.constant 8 : i32
          %div3A_216 = arith.divsi %scan3A_193, %jit3A_215 : i32
          %sign3A_217 = arith.constant 0 : i32
          %sign3A_218 = arith.cmpi sgt, %scan3A_193, %sign3A_217 : i32
          %sign3A_219 = arith.extui %sign3A_218 : i1 to i32
          %sign3A_220 = arith.constant 0 : i32
          %sign3A_221 = arith.cmpi slt, %scan3A_193, %sign3A_220 : i32
          %sign3A_222 = arith.extui %sign3A_221 : i1 to i32
          %sign3A_223 = arith.subi %sign3A_219, %sign3A_222 : i32
          %sign3A_224 = arith.constant 0 : i32
          %sign3A_225 = arith.cmpi sgt, %jit3A_215, %sign3A_224 : i32
          %sign3A_226 = arith.extui %sign3A_225 : i1 to i32
          %sign3A_227 = arith.constant 0 : i32
          %sign3A_228 = arith.cmpi slt, %jit3A_215, %sign3A_227 : i32
          %sign3A_229 = arith.extui %sign3A_228 : i1 to i32
          %sign3A_230 = arith.subi %sign3A_226, %sign3A_229 : i32
          %ne3A_231 = arith.cmpi ne, %sign3A_223, %sign3A_230 : i32
          %rem3A_232 = arith.remsi %scan3A_193, %jit3A_215 : i32
          %ne3A_233 = arith.constant 0 : i32
          %ne3A_234 = arith.cmpi ne, %rem3A_232, %ne3A_233 : i32
          %and3A_235 = arith.andi %ne3A_231, %ne3A_234 : i1
          %sub3A_236 = arith.constant 1 : i32
          %sub3A_237 = arith.subi %div3A_216, %sub3A_236 : i32
          %select_n3A_238 = arith.select %and3A_235, %sub3A_237, %div3A_216 : i32
          %jit3A_239 = arith.constant 128 : i32
          %eq3A_240 = arith.constant 0 : i32
          %eq3A_241 = arith.cmpi eq, %jit3A_239, %eq3A_240 : i32
          %jit3A_242 = arith.constant 1 : i32
          %select_n3A_243 = arith.select %eq3A_241, %jit3A_242, %jit3A_239 : i32
          %rem3A_244 = arith.remsi %mul3A_195, %select_n3A_243 : i32
          %ne3A_245 = arith.constant 0 : i32
          %ne3A_246 = arith.cmpi ne, %rem3A_244, %ne3A_245 : i32
          %lt3A_247 = arith.constant 0 : i32
          %lt3A_248 = arith.cmpi slt, %rem3A_244, %lt3A_247 : i32
          %lt3A_249 = arith.constant 0 : i32
          %lt3A_250 = arith.cmpi slt, %select_n3A_243, %lt3A_249 : i32
          %ne3A_251 = arith.xori %lt3A_248, %lt3A_250 : i1
          %and3A_252 = arith.andi %ne3A_251, %ne3A_246 : i1
          %add3A_253 = arith.addi %rem3A_244, %select_n3A_243 : i32
          %select_n3A_254 = arith.select %and3A_252, %add3A_253, %rem3A_244 : i32
          %add3A_255 = vector.broadcast %select_n3A_254 : i32 to vector<16xi32>
          %add3A_256 = arith.addi %add3A_255, %iota3A : vector<16xi32>
          %mul3A_257 = arith.mulf %mul3A_214, %get3A_200 : vector<16xf32>
          %mul3A_258 = arith.mulf %mul3A_214, %get3A_202 : vector<16xf32>
          %mul3A_259 = arith.mulf %mul3A_214, %get3A_204 : vector<16xf32>
          %add3A_260 = arith.constant 0 : i32
          %add3A_261 = arith.addi %add3A_260, %mul3A_195 : i32
          %swap3A = arith.index_cast %add3A_261 : i32 to index
          %swap3A_262 = tpu.vector_load %arg20[%swap3A] {strides = array<i32>} : memref<19200xf32, #tpu.memory_space<vmem>>, vector<16xf32>,
          tpu.vector_store %arg20[%swap3A], %mul3A_257 {strides = array<i32>} : memref<19200xf32, #tpu.memory_space<vmem>>, vector<16xf32>,
          %neg3A_263 = arith.constant 0.000000e+00 : f32
          %neg3A_264 = vector.broadcast %neg3A_263 : f32 to vector<16xf32>
          %neg3A_265 = arith.subf %neg3A_264, %mul3A_257 : vector<16xf32>
          %add3A_266 = arith.constant 9600 : i32
          %add3A_267 = arith.addi %add3A_266, %mul3A_195 : i32
          %swap3A_268 = arith.index_cast %add3A_267 : i32 to index
          %swap3A_269 = tpu.vector_load %arg20[%swap3A_268] {strides = array<i32>} : memref<19200xf32, #tpu.memory_space<vmem>>, vector<16xf32>,
          tpu.vector_store %arg20[%swap3A_268], %neg3A_265 {strides = array<i32>} : memref<19200xf32, #tpu.memory_space<vmem>>, vector<16xf32>,
          %add3A_270 = arith.constant 0 : i32
          %add3A_271 = arith.addi %add3A_270, %select_n3A_238 : i32
          %broadcast_in_dim3A_272 = vector.broadcast %add3A_271 : i32 to vector<16xi32>
          %add3A_273 = arith.constant 0 : i32
          %add3A_274 = vector.broadcast %add3A_273 : i32 to vector<16xi32>
          %add3A_275 = arith.addi %get3A_196, %add3A_274 : vector<16xi32>
          tpu.vector_store_idx %arg22[%broadcast_in_dim3A_272, %add3A_256], %add3A_275 : memref<150x128xi32, #tpu.memory_space<vmem>>[vector<16xi32>, vector<16xi32>], vector<16xi32>,
          %add3A_276 = arith.constant 75 : i32
          %add3A_277 = arith.addi %add3A_276, %select_n3A_238 : i32
          %broadcast_in_dim3A_278 = vector.broadcast %add3A_277 : i32 to vector<16xi32>
          %add3A_279 = arith.constant 0 : i32
          %add3A_280 = vector.broadcast %add3A_279 : i32 to vector<16xi32>
          %add3A_281 = arith.addi %get3A_198, %add3A_280 : vector<16xi32>
          tpu.vector_store_idx %arg22[%broadcast_in_dim3A_278, %add3A_256], %add3A_281 : memref<150x128xi32, #tpu.memory_space<vmem>>[vector<16xi32>, vector<16xi32>], vector<16xi32>,
          %add3A_282 = arith.constant 3200 : i32
          %add3A_283 = arith.addi %add3A_282, %mul3A_195 : i32
          %swap3A_284 = arith.index_cast %add3A_283 : i32 to index
          %swap3A_285 = tpu.vector_load %arg20[%swap3A_284] {strides = array<i32>} : memref<19200xf32, #tpu.memory_space<vmem>>, vector<16xf32>,
          tpu.vector_store %arg20[%swap3A_284], %mul3A_258 {strides = array<i32>} : memref<19200xf32, #tpu.memory_space<vmem>>, vector<16xf32>,
          %neg3A_286 = arith.constant 0.000000e+00 : f32
          %neg3A_287 = vector.broadcast %neg3A_286 : f32 to vector<16xf32>
          %neg3A_288 = arith.subf %neg3A_287, %mul3A_258 : vector<16xf32>
          %add3A_289 = arith.constant 12800 : i32
          %add3A_290 = arith.addi %add3A_289, %mul3A_195 : i32
          %swap3A_291 = arith.index_cast %add3A_290 : i32 to index
          %swap3A_292 = tpu.vector_load %arg20[%swap3A_291] {strides = array<i32>} : memref<19200xf32, #tpu.memory_space<vmem>>, vector<16xf32>,
          tpu.vector_store %arg20[%swap3A_291], %neg3A_288 {strides = array<i32>} : memref<19200xf32, #tpu.memory_space<vmem>>, vector<16xf32>,
          %add3A_293 = arith.constant 25 : i32
          %add3A_294 = arith.addi %add3A_293, %select_n3A_238 : i32
          %broadcast_in_dim3A_295 = vector.broadcast %add3A_294 : i32 to vector<16xi32>
          %add3A_296 = arith.constant 100096 : i32
          %add3A_297 = vector.broadcast %add3A_296 : i32 to vector<16xi32>
          %add3A_298 = arith.addi %get3A_196, %add3A_297 : vector<16xi32>
          tpu.vector_store_idx %arg22[%broadcast_in_dim3A_295, %add3A_256], %add3A_298 : memref<150x128xi32, #tpu.memory_space<vmem>>[vector<16xi32>, vector<16xi32>], vector<16xi32>,
          %add3A_299 = arith.constant 100 : i32
          %add3A_300 = arith.addi %add3A_299, %select_n3A_238 : i32
          %broadcast_in_dim3A_301 = vector.broadcast %add3A_300 : i32 to vector<16xi32>
          %add3A_302 = arith.constant 100096 : i32
          %add3A_303 = vector.broadcast %add3A_302 : i32 to vector<16xi32>
          %add3A_304 = arith.addi %get3A_198, %add3A_303 : vector<16xi32>
          tpu.vector_store_idx %arg22[%broadcast_in_dim3A_301, %add3A_256], %add3A_304 : memref<150x128xi32, #tpu.memory_space<vmem>>[vector<16xi32>, vector<16xi32>], vector<16xi32>,
          %add3A_305 = arith.constant 6400 : i32
          %add3A_306 = arith.addi %add3A_305, %mul3A_195 : i32
          %swap3A_307 = arith.index_cast %add3A_306 : i32 to index
          %swap3A_308 = tpu.vector_load %arg20[%swap3A_307] {strides = array<i32>} : memref<19200xf32, #tpu.memory_space<vmem>>, vector<16xf32>,
          tpu.vector_store %arg20[%swap3A_307], %mul3A_259 {strides = array<i32>} : memref<19200xf32, #tpu.memory_space<vmem>>, vector<16xf32>,
          %neg3A_309 = arith.constant 0.000000e+00 : f32
          %neg3A_310 = vector.broadcast %neg3A_309 : f32 to vector<16xf32>
          %neg3A_311 = arith.subf %neg3A_310, %mul3A_259 : vector<16xf32>
          %add3A_312 = arith.constant 16000 : i32
          %add3A_313 = arith.addi %add3A_312, %mul3A_195 : i32
          %swap3A_314 = arith.index_cast %add3A_313 : i32 to index
          %swap3A_315 = tpu.vector_load %arg20[%swap3A_314] {strides = array<i32>} : memref<19200xf32, #tpu.memory_space<vmem>>, vector<16xf32>,
          tpu.vector_store %arg20[%swap3A_314], %neg3A_311 {strides = array<i32>} : memref<19200xf32, #tpu.memory_space<vmem>>, vector<16xf32>,
          %add3A_316 = arith.constant 50 : i32
          %add3A_317 = arith.addi %add3A_316, %select_n3A_238 : i32
          %broadcast_in_dim3A_318 = vector.broadcast %add3A_317 : i32 to vector<16xi32>
          %add3A_319 = arith.constant 200192 : i32
          %add3A_320 = vector.broadcast %add3A_319 : i32 to vector<16xi32>
          %add3A_321 = arith.addi %get3A_196, %add3A_320 : vector<16xi32>
          tpu.vector_store_idx %arg22[%broadcast_in_dim3A_318, %add3A_256], %add3A_321 : memref<150x128xi32, #tpu.memory_space<vmem>>[vector<16xi32>, vector<16xi32>], vector<16xi32>,
          %add3A_322 = arith.constant 125 : i32
          %add3A_323 = arith.addi %add3A_322, %select_n3A_238 : i32
          %broadcast_in_dim3A_324 = vector.broadcast %add3A_323 : i32 to vector<16xi32>
          %add3A_325 = arith.constant 200192 : i32
          %add3A_326 = vector.broadcast %add3A_325 : i32 to vector<16xi32>
          %add3A_327 = arith.addi %get3A_198, %add3A_326 : vector<16xi32>
          tpu.vector_store_idx %arg22[%broadcast_in_dim3A_324, %add3A_256], %add3A_327 : memref<150x128xi32, #tpu.memory_space<vmem>>[vector<16xi32>, vector<16xi32>], vector<16xi32>,
        }
        %scan3A_180 = arith.constant 200 : i32
        %add3A_181 = arith.constant 2 : i32
        %add3A_182 = arith.addi %add3A_154, %add3A_181 : i32
        %lt3A_183 = arith.cmpi slt, %add3A_182, %select_n3A : i32
        %convert_element_type3A_184 = arith.extui %lt3A_183 : i1 to i32
        %cond3A_185 = arith.constant 0 : i32
        %cond3A_186 = arith.cmpi ne, %convert_element_type3A_184, %cond3A_185 : i32
        scf.if %cond3A_186 {
          %add3A_193 = arith.constant 2 : i32
          %add3A_194 = arith.addi %add3A_154, %add3A_193 : i32
          %mul3A_195 = arith.constant 32 : i32
          %mul3A_196 = arith.muli %add3A_194, %mul3A_195 : i32
          %add3A_197 = arith.addi %add3A, %mul3A_196 : i32
          %mul3A_198 = arith.constant 3200 : i32
          %mul3A_199 = arith.muli %add3A_197, %mul3A_198 : i32
          %dma_start3A_200 = tpu.memref_slice %arg2[%mul3A_199] : memref<6400000xf32, #tpu.memory_space<hbm>> -> memref<3200xf32, #tpu.memory_space<hbm>>
          %dma_start3A_201 = tpu.memref_slice %arg2[%mul3A_199] : memref<6400000xf32, #tpu.memory_space<hbm>> -> memref<3200xf32, #tpu.memory_space<hbm>>
          tpu.enqueue_dma source(%dma_start3A_201 : memref<3200xf32, #tpu.memory_space<hbm>>) target(%arg14 : memref<3200xf32, #tpu.memory_space<vmem>>) target_semaphore(%arg27 : memref<!tpu.dma_semaphore, #tpu.memory_space<semaphore_mem>>)
          %dma_start3A_202 = tpu.memref_slice %arg3[%mul3A_199] : memref<6400000xf32, #tpu.memory_space<hbm>> -> memref<3200xf32, #tpu.memory_space<hbm>>
          %dma_start3A_203 = tpu.memref_slice %arg3[%mul3A_199] : memref<6400000xf32, #tpu.memory_space<hbm>> -> memref<3200xf32, #tpu.memory_space<hbm>>
          tpu.enqueue_dma source(%dma_start3A_203 : memref<3200xf32, #tpu.memory_space<hbm>>) target(%arg15 : memref<3200xf32, #tpu.memory_space<vmem>>) target_semaphore(%arg27 : memref<!tpu.dma_semaphore, #tpu.memory_space<semaphore_mem>>)
          %dma_start3A_204 = tpu.memref_slice %arg4[%mul3A_199] : memref<6400000xf32, #tpu.memory_space<hbm>> -> memref<3200xf32, #tpu.memory_space<hbm>>
          %dma_start3A_205 = tpu.memref_slice %arg4[%mul3A_199] : memref<6400000xf32, #tpu.memory_space<hbm>> -> memref<3200xf32, #tpu.memory_space<hbm>>
          tpu.enqueue_dma source(%dma_start3A_205 : memref<3200xf32, #tpu.memory_space<hbm>>) target(%arg16 : memref<3200xf32, #tpu.memory_space<vmem>>) target_semaphore(%arg27 : memref<!tpu.dma_semaphore, #tpu.memory_space<semaphore_mem>>)
          %dma_start3A_206 = tpu.memref_slice %arg5[%mul3A_199] : memref<6400000xi32, #tpu.memory_space<hbm>> -> memref<3200xi32, #tpu.memory_space<hbm>>
          %dma_start3A_207 = tpu.memref_slice %arg5[%mul3A_199] : memref<6400000xi32, #tpu.memory_space<hbm>> -> memref<3200xi32, #tpu.memory_space<hbm>>
          tpu.enqueue_dma source(%dma_start3A_207 : memref<3200xi32, #tpu.memory_space<hbm>>) target(%arg17 : memref<3200xi32, #tpu.memory_space<vmem>>) target_semaphore(%arg27 : memref<!tpu.dma_semaphore, #tpu.memory_space<semaphore_mem>>)
          %dma_start3A_208 = tpu.memref_slice %arg6[%mul3A_199] : memref<6400000xi32, #tpu.memory_space<hbm>> -> memref<3200xi32, #tpu.memory_space<hbm>>
          %dma_start3A_209 = tpu.memref_slice %arg6[%mul3A_199] : memref<6400000xi32, #tpu.memory_space<hbm>> -> memref<3200xi32, #tpu.memory_space<hbm>>
          tpu.enqueue_dma source(%dma_start3A_209 : memref<3200xi32, #tpu.memory_space<hbm>>) target(%arg18 : memref<3200xi32, #tpu.memory_space<vmem>>) target_semaphore(%arg27 : memref<!tpu.dma_semaphore, #tpu.memory_space<semaphore_mem>>)
        } else {
        }
        %scan3A_187 = arith.constant 0 : i32
        %scan3A_188 = arith.constant 0 : i32
        %scan3A_189 = arith.constant 150 : i32
        %scan3A_190 = arith.addi %scan3A_188, %scan3A_189 : i32
        %scan3A_191 = arith.constant 1 : i32
        scf.for %scan3A_193 = %scan3A_188 to %scan3A_190 step %scan3A_191  : i32 {
          %mul3A_194 = arith.constant 128 : i32
          %mul3A_195 = arith.muli %scan3A_193, %mul3A_194 : i32
          %dma_start3A_196 = tpu.memref_slice %arg20[%mul3A_195] : memref<19200xf32, #tpu.memory_space<vmem>> -> memref<128xf32, #tpu.memory_space<vmem>>
          %dma_start3A_197 = arith.constant 0 : i32
          %dma_start3A_198 = tpu.memref_slice %arg22[%scan3A_193, %dma_start3A_197] : memref<150x128xi32, #tpu.memory_space<vmem>> -> memref<1x128xi32, #tpu.memory_space<vmem>>
          %dma_start3A_199 = tpu.memref_squeeze %dma_start3A_198 : memref<1x128xi32, #tpu.memory_space<vmem>> -> memref<128xi32, #tpu.memory_space<vmem>>
          %dma_start3A_200 = arith.constant 0 : i32
          %dma_start3A_201 = tpu.memref_slice %arg23[%dma_start3A_200] : memref<300288xf32, #tpu.memory_space<vmem_shared>> -> memref<300288xf32, #tpu.memory_space<vmem_shared>>
          tpu.enqueue_indirect_dma source(%dma_start3A_196 : memref<128xf32, #tpu.memory_space<vmem>>) target(%dma_start3A_201 : memref<300288xf32, #tpu.memory_space<vmem_shared>>) offsets(%dma_start3A_199 : memref<128xi32, #tpu.memory_space<vmem>>) semaphore(%arg25 : memref<!tpu.dma_semaphore, #tpu.memory_space<semaphore_mem>>) {add = true}
        }
        %scan3A_192 = arith.constant 150 : i32
      } else {
      }
    }
    %dma_wait3A = arith.constant 0 : i32
    %dma_wait3A_93 = tpu.memref_slice %arg23[%dma_wait3A] : memref<300288xf32, #tpu.memory_space<vmem_shared>> -> memref<19200xf32, #tpu.memory_space<vmem_shared>>
    %dma_wait3A_94 = arith.constant 0 : i32
    %dma_wait3A_95 = tpu.memref_slice %arg23[%dma_wait3A_94] : memref<300288xf32, #tpu.memory_space<vmem_shared>> -> memref<19200xf32, #tpu.memory_space<vmem_shared>>
    tpu.wait_dma2 semaphore(%arg24 : memref<!tpu.dma_semaphore, #tpu.memory_space<semaphore_mem>>) src(%arg19 : memref<19200xf32, #tpu.memory_space<vmem>>) dst(%dma_wait3A_95 : memref<19200xf32, #tpu.memory_space<vmem_shared>>)
    %dma_wait3A_96 = arith.constant 0 : i32
    %dma_wait3A_97 = tpu.memref_slice %arg23[%dma_wait3A_96] : memref<300288xf32, #tpu.memory_space<vmem_shared>> -> memref<19200xf32, #tpu.memory_space<vmem_shared>>
    %dma_wait3A_98 = arith.constant 0 : i32
    %dma_wait3A_99 = tpu.memref_slice %arg23[%dma_wait3A_98] : memref<300288xf32, #tpu.memory_space<vmem_shared>> -> memref<19200xf32, #tpu.memory_space<vmem_shared>>
    tpu.wait_dma2 semaphore(%arg25 : memref<!tpu.dma_semaphore, #tpu.memory_space<semaphore_mem>>) src(%arg20 : memref<19200xf32, #tpu.memory_space<vmem>>) dst(%dma_wait3A_99 : memref<19200xf32, #tpu.memory_space<vmem_shared>>)
    %barrier3A_100 = arith.constant 0 : index
    tpu.barrier barrier_id(%barrier3A_100)
    "tpu.region"() ({
      %run_scoped3A = tpu.sem_alloc : memref<!tpu.dma_semaphore, #tpu.memory_space<semaphore_mem>>
      %dma_start3A_108 = arith.constant 0 : i32
      %dma_start3A_109 = tpu.memref_slice %arg19[%dma_start3A_108] : memref<19200xf32, #tpu.memory_space<vmem>> -> memref<18768xf32, #tpu.memory_space<vmem>>
      %dma_start3A_110 = tpu.memref_slice %arg23[%mul3A_8] : memref<300288xf32, #tpu.memory_space<vmem_shared>> -> memref<18768xf32, #tpu.memory_space<vmem_shared>>
      %dma_start3A_111 = arith.constant 0 : i32
      %dma_start3A_112 = tpu.memref_slice %arg19[%dma_start3A_111] : memref<19200xf32, #tpu.memory_space<vmem>> -> memref<18768xf32, #tpu.memory_space<vmem>>
      %dma_start3A_113 = tpu.memref_slice %arg23[%mul3A_8] : memref<300288xf32, #tpu.memory_space<vmem_shared>> -> memref<18768xf32, #tpu.memory_space<vmem_shared>>
      tpu.enqueue_dma source(%dma_start3A_113 : memref<18768xf32, #tpu.memory_space<vmem_shared>>) target(%dma_start3A_112 : memref<18768xf32, #tpu.memory_space<vmem>>) target_semaphore(%run_scoped3A : memref<!tpu.dma_semaphore, #tpu.memory_space<semaphore_mem>>)
      %dma_wait3A_114 = arith.constant 0 : i32
      %dma_wait3A_115 = tpu.memref_slice %arg19[%dma_wait3A_114] : memref<19200xf32, #tpu.memory_space<vmem>> -> memref<18768xf32, #tpu.memory_space<vmem>>
      %dma_wait3A_116 = tpu.memref_slice %arg23[%mul3A_8] : memref<300288xf32, #tpu.memory_space<vmem_shared>> -> memref<18768xf32, #tpu.memory_space<vmem_shared>>
      %dma_wait3A_117 = arith.constant 0 : i32
      %dma_wait3A_118 = tpu.memref_slice %arg19[%dma_wait3A_117] : memref<19200xf32, #tpu.memory_space<vmem>> -> memref<18768xf32, #tpu.memory_space<vmem>>
      %dma_wait3A_119 = tpu.memref_slice %arg23[%mul3A_8] : memref<300288xf32, #tpu.memory_space<vmem_shared>> -> memref<18768xf32, #tpu.memory_space<vmem_shared>>
      tpu.wait_dma2 semaphore(%run_scoped3A : memref<!tpu.dma_semaphore, #tpu.memory_space<semaphore_mem>>) src(%dma_wait3A_119 : memref<18768xf32, #tpu.memory_space<vmem_shared>>) dst(%dma_wait3A_118 : memref<18768xf32, #tpu.memory_space<vmem>>)
      tpu.yield
    }) : () -> ()
    %eq3A = arith.constant 0 : i32
    %eq3A_101 = arith.cmpi eq, %arg0, %eq3A : i32
    %convert_element_type3A = arith.extui %eq3A_101 : i1 to i32
    %cond3A = arith.constant 0 : i32
    %cond3A_102 = arith.cmpi ne, %convert_element_type3A, %cond3A : i32
    scf.if %cond3A_102 {
      "tpu.region"() ({
        %run_scoped3A = tpu.sem_alloc : memref<!tpu.dma_semaphore, #tpu.memory_space<semaphore_mem>>
        %dma_start3A_108 = arith.constant 0 : i32
        %dma_start3A_109 = tpu.memref_slice %arg19[%dma_start3A_108] : memref<19200xf32, #tpu.memory_space<vmem>> -> memref<18768xf32, #tpu.memory_space<vmem>>
        %dma_start3A_110 = tpu.memref_slice %arg7[%mul3A_8] : memref<300288xf32, #tpu.memory_space<hbm>> -> memref<18768xf32, #tpu.memory_space<hbm>>
        %dma_start3A_111 = tpu.memref_slice %arg7[%mul3A_8] : memref<300288xf32, #tpu.memory_space<hbm>> -> memref<18768xf32, #tpu.memory_space<hbm>>
        %dma_start3A_112 = arith.constant 0 : i32
        %dma_start3A_113 = tpu.memref_slice %arg19[%dma_start3A_112] : memref<19200xf32, #tpu.memory_space<vmem>> -> memref<18768xf32, #tpu.memory_space<vmem>>
        tpu.enqueue_dma source(%dma_start3A_113 : memref<18768xf32, #tpu.memory_space<vmem>>) target(%dma_start3A_111 : memref<18768xf32, #tpu.memory_space<hbm>>) target_semaphore(%run_scoped3A : memref<!tpu.dma_semaphore, #tpu.memory_space<semaphore_mem>>)
        %dma_wait3A_114 = arith.constant 0 : i32
        %dma_wait3A_115 = tpu.memref_slice %arg19[%dma_wait3A_114] : memref<19200xf32, #tpu.memory_space<vmem>> -> memref<18768xf32, #tpu.memory_space<vmem>>
        %dma_wait3A_116 = tpu.memref_slice %arg7[%mul3A_8] : memref<300288xf32, #tpu.memory_space<hbm>> -> memref<18768xf32, #tpu.memory_space<hbm>>
        %dma_wait3A_117 = tpu.memref_slice %arg7[%mul3A_8] : memref<300288xf32, #tpu.memory_space<hbm>> -> memref<18768xf32, #tpu.memory_space<hbm>>
        %dma_wait3A_118 = arith.constant 0 : i32
        %dma_wait3A_119 = tpu.memref_slice %arg19[%dma_wait3A_118] : memref<19200xf32, #tpu.memory_space<vmem>> -> memref<18768xf32, #tpu.memory_space<vmem>>
        tpu.wait_dma2 semaphore(%run_scoped3A : memref<!tpu.dma_semaphore, #tpu.memory_space<semaphore_mem>>) src(%dma_wait3A_119 : memref<18768xf32, #tpu.memory_space<vmem>>) dst(%dma_wait3A_117 : memref<18768xf32, #tpu.memory_space<hbm>>)
        tpu.yield
      }) : () -> ()
    } else {
    }
    %eq3A_103 = arith.constant 1 : i32
    %eq3A_104 = arith.cmpi eq, %arg0, %eq3A_103 : i32
    %convert_element_type3A_105 = arith.extui %eq3A_104 : i1 to i32
    %cond3A_106 = arith.constant 0 : i32
    %cond3A_107 = arith.cmpi ne, %convert_element_type3A_105, %cond3A_106 : i32
    scf.if %cond3A_107 {
      "tpu.region"() ({
        %run_scoped3A = tpu.sem_alloc : memref<!tpu.dma_semaphore, #tpu.memory_space<semaphore_mem>>
        %dma_start3A_108 = arith.constant 0 : i32
        %dma_start3A_109 = tpu.memref_slice %arg19[%dma_start3A_108] : memref<19200xf32, #tpu.memory_space<vmem>> -> memref<18768xf32, #tpu.memory_space<vmem>>
        %dma_start3A_110 = tpu.memref_slice %arg8[%mul3A_8] : memref<300288xf32, #tpu.memory_space<hbm>> -> memref<18768xf32, #tpu.memory_space<hbm>>
        %dma_start3A_111 = tpu.memref_slice %arg8[%mul3A_8] : memref<300288xf32, #tpu.memory_space<hbm>> -> memref<18768xf32, #tpu.memory_space<hbm>>
        %dma_start3A_112 = arith.constant 0 : i32
        %dma_start3A_113 = tpu.memref_slice %arg19[%dma_start3A_112] : memref<19200xf32, #tpu.memory_space<vmem>> -> memref<18768xf32, #tpu.memory_space<vmem>>
        tpu.enqueue_dma source(%dma_start3A_113 : memref<18768xf32, #tpu.memory_space<vmem>>) target(%dma_start3A_111 : memref<18768xf32, #tpu.memory_space<hbm>>) target_semaphore(%run_scoped3A : memref<!tpu.dma_semaphore, #tpu.memory_space<semaphore_mem>>)
        %dma_wait3A_114 = arith.constant 0 : i32
        %dma_wait3A_115 = tpu.memref_slice %arg19[%dma_wait3A_114] : memref<19200xf32, #tpu.memory_space<vmem>> -> memref<18768xf32, #tpu.memory_space<vmem>>
        %dma_wait3A_116 = tpu.memref_slice %arg8[%mul3A_8] : memref<300288xf32, #tpu.memory_space<hbm>> -> memref<18768xf32, #tpu.memory_space<hbm>>
        %dma_wait3A_117 = tpu.memref_slice %arg8[%mul3A_8] : memref<300288xf32, #tpu.memory_space<hbm>> -> memref<18768xf32, #tpu.memory_space<hbm>>
        %dma_wait3A_118 = arith.constant 0 : i32
        %dma_wait3A_119 = tpu.memref_slice %arg19[%dma_wait3A_118] : memref<19200xf32, #tpu.memory_space<vmem>> -> memref<18768xf32, #tpu.memory_space<vmem>>
        tpu.wait_dma2 semaphore(%run_scoped3A : memref<!tpu.dma_semaphore, #tpu.memory_space<semaphore_mem>>) src(%dma_wait3A_119 : memref<18768xf32, #tpu.memory_space<vmem>>) dst(%dma_wait3A_117 : memref<18768xf32, #tpu.memory_space<hbm>>)
        tpu.yield
      }) : () -> ()
    } else {
    }
    return
  }
}

module attributes {stable_mosaic.version = 14 : i64} {
  func.func @_combine_body(%arg0: memref<2346x128xf32, #tpu.memory_space<vmem>>, %arg1: memref<2346x128xf32, #tpu.memory_space<vmem>>, %arg2: memref<2346x128xf32, #tpu.memory_space<vmem>>) attributes {dimension_semantics = [], scalar_prefetch = 0 : i64, scratch_operands = 0 : i64, tpu.core_type = #tpu.core_type<tc>} {
    %get3A = arith.constant 0 : index
    %get3A_0 = arith.constant 0 : index
    %get3A_1 = vector.load %arg0[%get3A, %get3A_0] : memref<2346x128xf32, #tpu.memory_space<vmem>>, vector<2346x128xf32>
    %get3A_2 = arith.constant 0 : index
    %get3A_3 = arith.constant 0 : index
    %get3A_4 = vector.load %arg1[%get3A_2, %get3A_3] : memref<2346x128xf32, #tpu.memory_space<vmem>>, vector<2346x128xf32>
    %add3A = arith.addf %get3A_1, %get3A_4 : vector<2346x128xf32>
    %swap3A = arith.constant 0 : index
    %swap3A_5 = arith.constant 0 : index
    %swap3A_6 = vector.load %arg2[%swap3A, %swap3A_5] : memref<2346x128xf32, #tpu.memory_space<vmem>>, vector<2346x128xf32>
    tpu.vector_store %arg2[%swap3A, %swap3A_5], %add3A {strides = array<i32>} : memref<2346x128xf32, #tpu.memory_space<vmem>>, vector<2346x128xf32>,
    return
  }
}

</mosaic_0001>

<sc_bundles>
// kernel: kernel.4.cloned.1.call-start
scs
__scs_entry_jumppad:
0x0: {  	(pc) =	sbr.rel $0x88, $3  }
0x1: {  	(tag) =	ssettag $0x0;
	lr =	simm.s32 $0x1  }
0x2: {  	[smem:$0x3F9E] =	sst lr;
	_ =	strace $0xD0000000  }
0x3: {  	_ = 	snop  }
0x4: {  	_ = 	snop  }
0x5: {  	_ = 	snop  }
0x6: {  	_ = 	snop  }
0x7: {  	_ = 	snop  }
__scs_overlays_trampoline_lowered:
0x8: {  	[smem:$0x3FAD] =	sst s0  }
0x9: {  	[smem:$0x3FAE] =	sst s1  }
0xa: {  	[smem:$0x3FAF] =	sst s2  }
0xb: {  	[smem:$0x3FB0] =	sst s3  }
0xc: {  	[smem:$0x3FB1] =	sst s4  }
0xd: {  	[smem:$0x3FB2] =	sst s5  }
0xe: {  	[smem:$0x3FB3] =	sst s6  }
0xf: {  	[smem:$0x3FB4] =	sst s7  }
0x10: {  	[smem:$0x3FB5] =	sst s8  }
0x11: {  	[smem:$0x3FB6] =	sst s9;
	s0 =	simm.s32 @!p0 $0x0  }
0x12: {  	s1 =	sld [smem:$0x3F9C];
	s0 =	simm.s32 @p0 $0x1  }
0x13: {  	[smem:$0x3FB7] =	sst s0;
	s0 =	simm.s32 @!p1 $0x0  }
0x14: {  	s2 =	sld [smem:$0x3F9B];
	s0 =	simm.s32 @p1 $0x1  }
0x15: {  	[smem:$0x3FB8] =	sst s0;
	s0 =	simm.s32 @!p2 $0x0  }
0x16: {  	s3 =	sld [smem:$0x3FDB];
	s0 =	simm.s32 @p2 $0x1  }
0x17: {  	s4 =	simm.s32 $0x1BF5;
	[smem:$0x3FBA] =	sst s0  }
0x18: {  	s0 =	sld [smem:$0x3F9D];
	_ =	swait.ge [sflag:s4], $0x0  }
0x19: {  	s7 =	sld [smem:$0x3F9E]  }
0x1a: {  	s8 =	sadd.s32 $0xFFFFE003, lr  }
0x1b: {  	s9 =	sadd.s32 $0xFFFFFEF7, lr;
	s5 =	simm.s32 $0xFFFFFFFF;
	p2 =	slt.u32 s8, $0xFFFFF086  }
0x1c: {  	p1 =	slt.u32 s9, $0xF7A;
	s5 =	simm.s32 @!p2 $0x0  }
0x1d: {  	s5 =	simm.s32 @p1 $0x1;
	p0 =	seq.s32 s7, s2  }
0x1e: {  	s7 =	smul.u32 @!p0 $0xF7A, s2;
	p2 =	seq.s32 @!p0 s5, $0x0  }
0x1f: {  	s9 =	smul.u32 $0xF7A, s1;
	s8 =	simm.s32 @!p0 $0x1BF5;
	p2 =	por !p2, p0  }
0x20: {  	[sflag:s8] =	ssyncset.s32 @!p0 $0xFFFFF086;
	s6 =	sadd.s32 @!p0 s3, s7;
	s7 =	simm.s32 @!p0 $0x108  }
0x21: {  	s3 =	sadd.s32 s3, s9;
	s6 =	sadd.s32 @!p0 $0x88, s6;
	s7 =	simm.s32 @p2 $0x1082  }
0x22: {  	[simem:s7], [sflag:s8] =	dma.local @!p0 [hbm:s6], $0xF7A  }
0x23: {  	s9 =	sor.u32 $0xD0000000, s2;
	s6 =	simm.s32 $0x108;
	_ =	swait.ge @!p0 [sflag:s8], $0x0  }
0x24: {  	s3 =	sadd.s32 $0x88, s3;
	s6 =	simm.s32 @!p1 $0x1082;
	[sflag:s4] =	ssyncset.s32 $0xFFFFF086  }
0x25: {  	[simem:s6], [sflag:s4] =	dma.local [hbm:s3], $0xF7A  }
0x26: {  	[smem:$0x3F9E] =	sst s1;
	(tag) =	ssettag s2;
	_ =	strace s9  }
0x27: {  	s1 =	sld [smem:$0x3FAE]  }
0x28: {  	s2 =	sld [smem:$0x3FAF]  }
0x29: {  	s4 =	sld [smem:$0x3FB1]  }
0x2a: {  	p0 =	seq.s32 s5, $0x0;
	s5 =	sld [smem:$0x3FB2]  }
0x2b: {  	s6 =	sld [smem:$0x3FB3]  }
0x2c: {  	s7 =	sld [smem:$0x3FB4]  }
0x2d: {  	s3 =	simm.s32 $0x108;
	s8 =	sld [smem:$0x3FB5]  }
0x2e: {  	s3 =	simm.s32 @!p0 $0x1082;
	s9 =	sld [smem:$0x3FB6]  }
0x2f: {  	lr =	sadd.s32 s0, s3;
	s0 =	sld [smem:$0x3FAD]  }
0x30: {  	s3 =	sld [smem:$0x3FB0]  }
0x31: {  	[smem:$0x3FB9] =	sst s10  }
0x32: {  	s10 =	sld [smem:$0x3FB7];
	_ =	sdelay $0x3  }
0x33: {  	p0 =	seq.s32 s10, $0x1;
	s10 =	sld [smem:$0x3FB9];
	_ =	sdelay $0x3  }
0x34: {  	[smem:$0x3FB9] =	sst s10  }
0x35: {  	s10 =	sld [smem:$0x3FB8];
	_ =	sdelay $0x3  }
0x36: {  	p1 =	seq.s32 s10, $0x1;
	s10 =	sld [smem:$0x3FB9];
	_ =	sdelay $0x3  }
0x37: {  	[smem:$0x3FB9] =	sst s10  }
0x38: {  	s10 =	sld [smem:$0x3FBA]  }
0x39: {  	_ = 	snop;
	(pc) =	sbr.ind lr, $3  }
0x3a: {  	_ = 	snop  }
0x3b: {  	_ = 	snop  }
0x3c: {  	p2 =	seq.s32 s10, $0x1;
	s10 =	sld [smem:$0x3FB9]  }
0x3d: {  	_ =	shalt  }
0x3e: {  	_ =	shalt  }
0x3f: {  	_ =	shalt  }
0x40: {  	_ =	shalt  }
0x41: {  	_ =	shalt  }
0x42: {  	_ =	shalt  }
0x43: {  	_ =	shalt  }
0x44: {  	_ =	shalt  }
0x45: {  	_ =	shalt  }
0x46: {  	_ =	shalt  }
0x47: {  	_ =	shalt  }
0x48: {  	_ =	shalt  }
0x49: {  	_ =	shalt  }
0x4a: {  	_ =	shalt  }
0x4b: {  	_ =	shalt  }
0x4c: {  	_ =	shalt  }
0x4d: {  	_ =	shalt  }
0x4e: {  	_ =	shalt  }
0x4f: {  	_ =	shalt  }
0x50: {  	_ =	shalt  }
0x51: {  	_ =	shalt  }
0x52: {  	_ =	shalt  }
0x53: {  	_ =	shalt  }
0x54: {  	_ =	shalt  }
0x55: {  	_ =	shalt  }
0x56: {  	_ =	shalt  }
0x57: {  	_ =	shalt  }
0x58: {  	_ =	shalt  }
0x59: {  	_ =	shalt  }
0x5a: {  	_ =	shalt  }
0x5b: {  	_ =	shalt  }
0x5c: {  	_ =	shalt  }
0x5d: {  	_ =	shalt  }
0x5e: {  	_ =	shalt  }
0x5f: {  	_ =	shalt  }
0x60: {  	_ =	shalt  }
0x61: {  	_ =	shalt  }
0x62: {  	_ =	shalt  }
0x63: {  	_ =	shalt  }
0x64: {  	_ =	shalt  }
0x65: {  	_ =	shalt  }
0x66: {  	_ =	shalt  }
0x67: {  	_ =	shalt  }
0x68: {  	_ =	shalt  }
0x69: {  	_ =	shalt  }
0x6a: {  	_ =	shalt  }
0x6b: {  	_ =	shalt  }
0x6c: {  	_ =	shalt  }
0x6d: {  	_ =	shalt  }
0x6e: {  	_ =	shalt  }
0x6f: {  	_ =	shalt  }
0x70: {  	_ =	shalt  }
0x71: {  	_ =	shalt  }
0x72: {  	_ =	shalt  }
0x73: {  	_ =	shalt  }
0x74: {  	_ =	shalt  }
0x75: {  	_ =	shalt  }
0x76: {  	_ =	shalt  }
0x77: {  	_ =	shalt  }
0x78: {  	_ =	shalt  }
0x79: {  	_ =	shalt  }
0x7a: {  	_ =	shalt  }
0x7b: {  	_ =	shalt  }
0x7c: {  	_ =	shalt  }
0x7d: {  	_ =	shalt  }
0x7e: {  	_ =	shalt  }
0x7f: {  	_ =	shalt  }
0x80: {  	_ =	shalt  }
0x81: {  	_ =	shalt  }
0x82: {  	_ =	shalt  }
0x83: {  	_ =	shalt  }
0x84: {  	_ =	shalt  }
0x85: {  	_ =	shalt  }
0x86: {  	_ =	shalt  }
0x87: {  	_ =	shalt  }
.Lfunc_end0:
.L_simem_size_0:
called_computation_lowered:
.L_overlay_start_0:
0x88: {  	s2 =	sld [smem:$0x3FD9]  }
0x89: {  	s3 =	sld [smem:$0x3FFE];
	_ =	sdelay $0x1  }
0x8a: {  	s1 =	srdreg.scid  }
0x8b: {  	s0 =	sand.u32 $0x1, s1  }
0x8c: {  	s17 =	sshll.u32 s0, $0xA;
	s2 =	sadd.s32 s3, s2  }
0x8d: {  	s2 =	sadd.s32 s2, s17  }
0x8e: {  	[smem:$0x3FC5] =	sst s2  }
0x8f: {  	_ = 	snop  }
0x90: {  	s2 =	sld [smem:$0x3FC8]  }
0x91: {  	s18 =	sld [smem:$0x3FC7]  }
0x92: {  	s4 =	sld [smem:$0x3FD0];
	(tm) =	ssettm $0x1  }
0x93: {  	s5 =	sld [smem:$0x3FFB];
	_ =	sdelay $0x3  }
0x94: {  	_ =	strace s5  }
0x95: {  	s5 =	sld [smem:$0x3FFC];
	_ =	sdelay $0x3  }
0x96: {  	_ =	strace s5  }
0x97: {  	s5 =	sld [smem:$0x3FFD];
	_ =	sdelay $0x3  }
0x98: {  	_ =	strace s5  }
0x99: {  	_ =	strace $0x8FFFFFFF  }
0x9a: {  	s19 =	sld [smem:$0x3FDB];
	_ =	sdelay $0x1  }
0x9b: {  	s6 =	simm.s32 $_scs_section_size  }
0x9c: {  	s7 =	simm.s32 $_size__tile_overlayer_lowered;
	s8 =	simm.s32 $_tile_overlayer_lowered  }
0x9d: {  	s22 =	simm.s32 $0x1BFF;
	s21 =	sshll.u32 s8, $0x1;
	s5 =	sadd.s32 s6, s19  }
0x9e: {  	s9 =	simm.s32 $0x0;
	s20 =	sshll.u32 s7, $0x1;
	s7 =	sadd.s32 s21, s5  }
0x9f: {  	[timem:s9], [sflag:s22] =	dma.local [hbm:s7], s20  }
0xa0: {  	_ =	swait.ge [sflag:s22], s20  }
0xa1: {  	s6 =	ssub.s32 $0x0, s20;
	[sflag:s22] =	ssyncset.done $0x0  }
0xa2: {  	[sflag:s22] =	ssyncadd.s32 s6;
	_ =	sdelay $0x1  }
0xa3: {  	s23 =	simm.s32 $0x1B8B  }
0xa4: {  	_ =	swait.ge [sflag:s23], $0x1  }
0xa5: {  	[sflag:s23] =	ssyncset.done $0x0  }
0xa6: {  	s25 =	simm.s32 $0x1B8E;
	s24 =	sld [smem:$0x3FFE];
	[sflag:s23] =	ssyncadd.s32 $0xFFFFFFFF  }
0xa7: {  	s26 =	simm.s32 $execute0_lowered;
	[smem:$0x3FD2] =	sst s25  }
0xa8: {  	s7 =	sshll.u32 s26, $0x1;
	_ =	strace $0x80000046;
	[dreg:$0x1] =	wrdreg $0xFFFFFFFF  }
0xa9: {  	s28 =	simm.s32 $_size_execute0_lowered;
	s5 =	sadd.s32 s5, s7;
	[dreg:$0x0] =	wrdreg $0x0  }
0xaa: {  	s7 =	sshll.u32 s28, $0x1;
	[dreg:$0x2] =	wrdreg s5  }
0xab: {  	[dreg:$0x3] =	wrdreg s7  }
0xac: {  	[dreg:$0x4] =	wrdreg $0xC0  }
0xad: {  	_ =	task [dreg:s9], $0x5FFFF  }
0xae: {  	[dreg:$0x1] =	wrdreg $0xFFFFFFFF  }
0xaf: {  	[dreg:$0x0] =	wrdreg $0x60  }
0xb0: {  	[dreg:$0x2] =	wrdreg s24  }
0xb1: {  	[dreg:$0x3] =	wrdreg s2  }
0xb2: {  	[dreg:$0x4] =	wrdreg s18  }
0xb3: {  	[dreg:$0x5] =	wrdreg s4  }
0xb4: {  	[dreg:$0x6] =	wrdreg $0x1AB000  }
0xb5: {  	[dreg:$0x7] =	wrdreg $0x9  }
0xb6: {  	_ =	task.clear_ibuf [dreg:s9], $0x8FFFF;
	_ =	strace $0x90000046  }
0xb7: {  	s29 =	simm.s32 $0x9;
	_ =	strace $0x80000048  }
0xb8: {  	_ =	swait.ge [sflag:s29], $0x1  }
0xb9: {  	[sflag:s29] =	ssyncadd.s32 $0xFFFFFFFF  }
0xba: {  	_ =	strace $0x90000048  }
0xbb: {  	_ =	sfence  }
0xbc: {  	s30 =	sld [smem:$0x0];
	_ =	sdelay $0x2  }
0xbd: {  	s31 =	sshll.u32 s1, $0xD;
	s1 =	sshrl.u32 s1, $0x2  }
0xbe: {  	s3 =	sand.u32 $0x4000, s31;
	s1 =	sadd.s32 s1, s30  }
0xbf: {  	s0 =	sor.u32 s3, s0;
	s1 =	sshll.u32 s1, $0x11  }
0xc0: {  	s0 =	sor.u32 s1, s0  }
0xc1: {  	s0 =	sadd.s32 $0x8F2B, s0  }
0xc2: {  	[sflag:s0] =	ssyncadd.remote.s32 $0x1  }
0xc3: {  	_ =	sfence.sel $0xFFFF  }
0xc4: {  	[dreg:$0x0] =	wrdreg $0xFFFFFFFF;
	(pc) =	sbr.abs _section_cstart, $3  }
0xc5: {  	[dreg:$0x1] =	wrdreg $0xFFFFFFFF  }
0xc6: {  	_ =	task.clear_ibuf [dreg:s9], $0x2FFFF;
	_ =	strace $0x9FFFFFFF  }
0xc7: {  	(tm) =	ssettm $0x7FFFFFFF  }
tec
execute0_lowered:
.L_overlay_start_1:
0x0: {  	(tag) =	ssettag $0x1  }
0x1: {  	s0 =	rddreg [dreg:$0x0]  }
0x2: {  	s1 =	rddreg [dreg:$0x1]  }
0x3: {  	s2 =	rddreg [dreg:$0x2]  }
0x4: {  	s4 =	rddreg [dreg:$0x3]  }
0x5: {  	s3 =	rddreg [dreg:$0x4]  }
0x6: {  	s5 =	simm.s32 $0x0;
	s26 =	srdreg.scid;
	s10 =	stileid.u32  }
0x7: {  	s29 =	simm.s32 $0x4;
	s30 =	simm.s32 $0x15F00;
	[smem:$0x7FF] =	sst s5  }
0x8: {  	s6 =	sadd.s32 $0x187A00, s0;
	s7 =	sadd.s32 $0xC4400, s0;
	s5 =	sand.u32 $0x1, s26  }
0x9: {  	s9 =	sshll.u32 s10, $0x1;
	s8 =	sadd.s32 $0xE00, s0;
	s12 =	smul.u32 $0x4950, s10  }
0xa: {  	s0 =	sadd.s32 $0x24B000, s0;
	_ =	strace $0x80000047;
	s9 =	sor.u32 s5, s9  }
0xb: {  	s28 =	ssub.s32 $0x2, s5;
	p0 =	seq.s32 s5, $0x1;
	s5 =	simm.s32 $0x11300  }
0xc: {  	s13 =	smul.u32 $0x190, s9;
	s11 =	sshrl.u32 s28, $0x1;
	s14 =	ssub.s32 $0x7EF, s9  }
0xd: {  	s17 =	sadd.s32 s12, s3;
	s26 =	sshrl.u32 s12, $0x3;
	s4 =	smov.u32 @p0 s0  }
0xe: {  	s15 =	smul.u32 $0xC80, s9;
	s0 =	sadd.s32 s4, s26;
	[dreg:$0x6] =	wrdreg s17  }
0xf: {  	s16 =	ssub.s32 s28, s11;
	s31 =	sadd.s32 s6, s13;
	[dreg:$0x11] =	wrdreg s0  }
0x10: {  	s11 =	sshrl.u32 s14, $0x5;
	s14 =	sadd.s32 s7, s13;
	[dreg:$0x7] =	wrdreg s31  }
0x11: {  	s4 =	simm.s32 $0x80;
	s18 =	sadd.s32 s8, s13;
	[dreg:$0x8] =	wrdreg s14  }
0x12: {  	s15 =	sshrl.u32 s15, $0x3;
	s19 =	sadd.s32 s1, s13;
	[dreg:$0x9] =	wrdreg s18  }
0x13: {  	s20 =	sadd.s32 s2, s13;
	s28 =	sadd.s32 $0x1, s11;
	[dreg:$0xa] =	wrdreg s19  }
0x14: {  	s14 =	sadd.s32 $0x3200, s15;
	[dreg:$0xb] =	wrdreg s20;
	s31 =	smax.u32 s16, $0x1  }
0x15: {  	s0 =	simm.s32 $0x3;
	s21 =	sadd.s32 s6, s14;
	[dreg:$0x12] =	wrdreg s31  }
.Ltmp0:
0x16: {  	s22 =	sadd.s32 s7, s14;
	[dreg:$0xc] =	wrdreg s21;
	(pc) =	sbr.rel .LBB2_1-.Ltmp0, $4  }
0x17: {  	s13 =	simm.s32 $0x0;
	s23 =	sadd.s32 s8, s14;
	[dreg:$0xd] =	wrdreg s22  }
0x18: {  	s16 =	simm.s32 $0x7D00;
	s24 =	sadd.s32 s1, s14;
	[dreg:$0xe] =	wrdreg s23  }
0x19: {  	s18 =	simm.s32 $0x5;
	s25 =	sadd.s32 s2, s14;
	[dreg:$0xf] =	wrdreg s24  }
0x1a: {  	v0 =	vimm.f32 $0.0e+00;
	v1 =	vlaneseq.u32;
	[dreg:$0x10] =	wrdreg s25;
	s22 =	sadd.s32 $0xFFFFFFFF, s11;
	s24 =	sshrl.u32 s28, $0x1  }
.LBB2_15:
0x1b: {  	s10 =	simm.s32 $0x1  }
0x1c: {  	_ =	swait.ge [sflag:s10], $0x4B00  }
0x1d: {  	[sflag:s10] =	ssyncset.done $0x0  }
0x1e: {  	s26 =	simm.s32 $0x2;
	[sflag:s10] =	ssyncadd.s32 $0xFFFFB500  }
0x1f: {  	_ =	swait.ge [sflag:s26], $0x4B00  }
0x20: {  	[sflag:s26] =	ssyncset.done $0x0  }
0x21: {  	[sflag:s26] =	ssyncadd.s32 $0xFFFFB500  }
0x22: {  	[bflag:$0x0] =	sbarrier.arrive $0xFFFF  }
0x23: {  	s16 =	simm.s32 $0x7D00;
	s18 =	simm.s32 $0x5;
	s17 =	rddreg [dreg:$0x6]  }
0x24: {  	[tilespmem:s16], [sflag:$0x5] =	stream.linear.gather [spmem:s17], $0x4950, $0x38;
	[tilespmem:$0x1F450] =	vst v63  }
0x25: {  	_ =	swait.ge [sflag:s18], $0x4950  }
0x26: {  	[sflag:s18] =	ssyncset.done $0x0  }
0x27: {  	s28 =	simm.s32 $0x0;
	s12 =	rddreg [dreg:$0x11];
	[sflag:s18] =	ssyncadd.s32 $0xFFFFB6B0  }
0x28: {  	[hbm4b:s12+s28] =	stream.linear.scatter [tilespmem:s16], [sflag:$0x5], $0x4950, $0x38;
	[tilespmem:$0x1F450] =	vst v63  }
0x29: {  	_ =	swait.ge [sflag:s18], $0x4950  }
0x2a: {  	s13 =	sadd.s32 $0x1, s13;
	s31 =	rddreg [dreg:$0x12]  }
0x2b: {  	p0 =	sne.s32 s13, s31  }
.Ltmp1:
0x2c: {  	_ = 	snop;
	(pc) =	sbr.rel @!p0 .LBB2_16-.Ltmp1, $3  }
0x2d: {  	_ =	sdelay $0x1  }
0x2e: {  	[sflag:s18] =	ssyncset.done $0x0  }
0x2f: {  	[sflag:s18] =	ssyncadd.s32 $0xFFFFB6B0  }
.LBB2_1:
0x30: {  	s14 =	simm.s32 $0x40;
	s15 =	simm.s32 $0x0  }
.LBB2_2:
0x31: {  	p0 =	sne.s32 s14, $0x12BC0;
	[tilespmem:s15+$0x7D00] =	vst v0;
	s15 =	smov.u32 s14;
	s14 =	sadd.s32 $0x40, s14  }
.Ltmp2:
0x32: {  	(pc) =	sbr.rel @p0 .LBB2_2-.Ltmp2, $2  }
0x33: {  	_ =	sdelay $0x2  }
0x34: {  	s15 =	sshra.s32 s15, $0x2  }
0x35: {  	[tilespmem:s15+$0x7D00] =	vst v0  }
0x36: {  	[spmem:s17] =	stream.linear.scatter [tilespmem:s16], [sflag:$0x5], $0x4950, $0x38;
	[tilespmem:$0x1F450] =	vst v63  }
0x37: {  	_ =	swait.ge [sflag:s18], $0x4950  }
0x38: {  	[sflag:s18] =	ssyncset.done $0x0  }
0x39: {  	[sflag:s18] =	ssyncadd.s32 $0xFFFFB6B0  }
0x3a: {  	[bflag:$0x0] =	sbarrier.arrive $0xFFFF  }
0x3b: {  	s14 =	simm.s32 $0x0;
	s10 =	rddreg [dreg:$0x7]  }
0x3c: {  	[tilespmem:s14], [sflag:$0x3] =	stream.linear.gather [hbm4b:s10+s14], $0xC80, $0x38;
	[tilespmem:$0x1F450] =	vst v63  }
0x3d: {  	s12 =	simm.s32 $0xC80;
	s23 =	rddreg [dreg:$0x8]  }
0x3e: {  	[tilespmem:s12], [sflag:$0x3] =	stream.linear.gather [hbm4b:s23+s14], $0xC80, $0x38;
	[tilespmem:$0x1F450] =	vst v63  }
0x3f: {  	s26 =	simm.s32 $0x1900;
	s25 =	rddreg [dreg:$0x9]  }
0x40: {  	[tilespmem:s26], [sflag:$0x3] =	stream.linear.gather [hbm4b:s25+s14], $0xC80, $0x38;
	[tilespmem:$0x1F450] =	vst v63  }
0x41: {  	s31 =	simm.s32 $0x2580;
	s28 =	rddreg [dreg:$0xa]  }
0x42: {  	[tilespmem:s31], [sflag:$0x3] =	stream.linear.gather [hbm4b:s28+s14], $0xC80, $0x38;
	[tilespmem:$0x1F450] =	vst v63  }
0x43: {  	s16 =	simm.s32 $0x3200;
	s15 =	rddreg [dreg:$0xb]  }
0x44: {  	[tilespmem:s16], [sflag:$0x3] =	stream.linear.gather [hbm4b:s15+s14], $0xC80, $0x38;
	[tilespmem:$0x1F450] =	vst v63  }
0x45: {  	s18 =	simm.s32 $0x3E80;
	s17 =	rddreg [dreg:$0xc]  }
0x46: {  	[tilespmem:s18], [sflag:$0x4] =	stream.linear.gather [hbm4b:s17+s14], $0xC80, $0x38;
	[tilespmem:$0x1F450] =	vst v63  }
0x47: {  	s20 =	simm.s32 $0x4B00;
	s19 =	rddreg [dreg:$0xd]  }
0x48: {  	[tilespmem:s20], [sflag:$0x4] =	stream.linear.gather [hbm4b:s19+s14], $0xC80, $0x38;
	[tilespmem:$0x1F450] =	vst v63  }
0x49: {  	s21 =	rddreg [dreg:$0xe];
	s23 =	simm.s32 $0x5780  }
0x4a: {  	[tilespmem:s23], [sflag:$0x4] =	stream.linear.gather [hbm4b:s21+s14], $0xC80, $0x38;
	[tilespmem:$0x1F450] =	vst v63  }
.Ltmp3:
0x4b: {  	_ = 	snop;
	(pc) =	sbr.rel .LBB2_4-.Ltmp3, $4  }
0x4c: {  	s25 =	rddreg [dreg:$0xf];
	s26 =	simm.s32 $0x6400  }
0x4d: {  	[tilespmem:s26], [sflag:$0x4] =	stream.linear.gather [hbm4b:s25+s14], $0xC80, $0x38;
	[tilespmem:$0x1F450] =	vst v63  }
0x4e: {  	s28 =	rddreg [dreg:$0x10];
	s31 =	simm.s32 $0x7080;
	s15 =	simm.s32 $0x0  }
0x4f: {  	[tilespmem:s31], [sflag:$0x4] =	stream.linear.gather [hbm4b:s28+s14], $0xC80, $0x38;
	[tilespmem:$0x1F450] =	vst v63  }
.LBB2_14:
0x50: {  	s15 =	sadd.s32 $0x1, s15  }
0x51: {  	p0 =	sne.s32 s15, s24  }
.Ltmp4:
0x52: {  	_ = 	snop;
	(pc) =	sbr.rel @!p0 .LBB2_15-.Ltmp4, $1  }
0x53: {  	_ =	sdelay $0x3  }
.LBB2_4:
0x54: {  	_ =	swait.ge [sflag:s0], $0xC80  }
0x55: {  	[sflag:s0] =	ssyncset.done $0x0  }
0x56: {  	[sflag:s0] =	ssyncadd.s32 $0xFFFFF380  }
0x57: {  	_ =	swait.ge [sflag:s0], $0xC80  }
0x58: {  	[sflag:s0] =	ssyncset.done $0x0  }
0x59: {  	[sflag:s0] =	ssyncadd.s32 $0xFFFFF380  }
0x5a: {  	_ =	swait.ge [sflag:s0], $0xC80  }
0x5b: {  	[sflag:s0] =	ssyncset.done $0x0  }
0x5c: {  	[sflag:s0] =	ssyncadd.s32 $0xFFFFF380  }
0x5d: {  	_ =	swait.ge [sflag:s0], $0xC80  }
0x5e: {  	[sflag:s0] =	ssyncset.done $0x0  }
0x5f: {  	[sflag:s0] =	ssyncadd.s32 $0xFFFFF380  }
0x60: {  	_ =	swait.ge [sflag:s0], $0xC80  }
0x61: {  	p0 =	seq.s32 s15, $0x0;
	[sflag:s0] =	ssyncset.done $0x0  }
0x62: {  	s16 =	simm.s32 @!p0 $0x1;
	[sflag:s0] =	ssyncadd.s32 $0xFFFFF380  }
0x63: {  	_ =	swait.ge @!p0 [sflag:s16], $0x4B00  }
0x64: {  	[sflag:s16] =	ssyncset.done @!p0 $0x0  }
0x65: {  	s19 =	simm.s32 $0xC80;
	[sflag:s16] =	ssyncadd.s32 @!p0 $0xFFFFB500  }
0x66: {  	v2 =	vld [tilespmem:s19+$0x0]  }
0x67: {  	v3 =	vld [tilespmem:s14+$0x0]  }
0x68: {  	s20 =	simm.s32 $0x1900  }
0x69: {  	v4 =	vld [tilespmem:s20+$0x0];
	_ =	sdelay $0x2  }
0x6a: {  	v5 =	vmul.f32 v3, v3;
	v6 =	vmul.f32 v2, v2;
	_ =	sdelay $0x1  }
0x6b: {  	v5 =	vadd.f32 v6, v5;
	v6 =	vmul.f32 v4, v4;
	_ =	sdelay $0x1  }
0x6c: {  	v5 =	vadd.f32 v6, v5;
	_ =	sdelay $0x1  }
0x6d: {  	v5 =	vsub.f32 $0.0e+00, v5;
	_ =	sdelay $0x1  }
0x6e: {  	v5 =	vmul.f32 $1.442695020e+00, v5;
	_ =	sdelay $0x1  }
0x6f: {  	(erf) = vpow2.f32 v5;
	_ =	sdelay $0x8  }
0x70: {  	v5 =	vpop (erf)  }
0x71: {  	s21 =	sand.u32 $0x70, s14;
	s18 =	simm.s32 $0x0;
	v5 =	vmul.f32 $-2.000000000e+00, v5  }
0x72: {  	s17 =	simm.s32 $0x2580;
	s19 =	sand.u32 $0xFFFFFF80, s18;
	v6 =	vor.u32 s21, v1  }
0x73: {  	s18 =	simm.s32 $0x3200;
	v7 =	vld [tilespmem:s17+$0x0];
	s23 =	sadd.s32 $0x2580, s19;
	v8 =	vor.u32 s19, v6;
	v3 =	vmul.f32 v5, v3  }
0x74: {  	v9 =	vld [tilespmem:s18+$0x0];
	v10 =	vor.u32 s23, v6  }
0x75: {  	s25 =	simm.s32 $0x7D00;
	v11 =	vsub.f32 $0.0e+00, v3  }
0x76: {  	s31 =	sand.u32 $0xFF0, s14;
	s20 =	sadd.s32 $0xC80, s19;
	v2 =	vmul.f32 v5, v2;
	[tilespmem:s25+$0x0] =	vst v3  }
0x77: {  	s26 =	sadd.s32 $0x3200, s19;
	v3 =	vor.u32 s20, v6;
	[tilespmem:s31+$0xA280] =	vst v11  }
0x78: {  	v63 =	vor.u32 s26, v6;
	[tilespmem:v8+s5+$0x0] =	vst.idx.msk $0xffff, v7;
	v8 =	vsub.f32 $0.0e+00, v2  }
0x79: {  	[tilespmem:v10+s5+$0x0] =	vst.idx.msk $0xffff, v9  }
0x7a: {  	s28 =	sadd.s32 $0x1900, s19;
	[tilespmem:s31+$0xAF00] =	vst v8  }
0x7b: {  	s21 =	sadd.s32 $0x3E80, s19;
	v5 =	vmul.f32 v5, v4;
	v8 =	vadd.s32 $0x18700, v7;
	[tilespmem:s31+$0x8980] =	vst v2;
	v2 =	vor.u32 s28, v6  }
0x7c: {  	s16 =	sshll.u32 s15, $0x1;
	v4 =	vadd.s32 $0x18700, v9;
	[tilespmem:v3+s5+$0x0] =	vst.idx.msk $0xffff, v8;
	v3 =	vor.u32 s21, v6  }
0x7d: {  	s19 =	simm.s32 $0x1;
	s23 =	simm.s32 $0xC90;
	s26 =	simm.s32 $0x0;
	v6 =	vsub.f32 $0.0e+00, v5;
	[tilespmem:v63+s5+$0x0] =	vst.idx.msk $0xffff, v4  }
0x7e: {  	s20 =	simm.s32 $0x7D10;
	s25 =	simm.s32 $0x1910;
	s21 =	simm.s32 $0x10;
	v4 =	vadd.s32 $0x30E00, v7;
	[tilespmem:s31+$0x9600] =	vst v5;
	v5 =	vadd.s32 $0x30E00, v9  }
.LBB2_5:
0x7f: {  	[tilespmem:s31+$0xBB80] =	vst v6;
	s26 =	sadd.s32 $0x10, s26;
	s17 =	sadd.s32 $0x10, s17;
	s18 =	sadd.s32 $0x10, s18  }
0x80: {  	p1 =	sne.s32 s19, $0xC7;
	s31 =	smov.u32 s19;
	s19 =	sadd.s32 $0x1, s19;
	[tilespmem:v2+s5+$0x0] =	vst.idx.msk $0xffff, v4  }
0x81: {  	[tilespmem:v3+s5+$0x0] =	vst.idx.msk $0xffff, v5  }
0x82: {  	v2 =	vld [tilespmem:s23+$0x0]  }
0x83: {  	v3 =	vld [tilespmem:s21+$0x0];
	_ =	sdelay $0x1  }
0x84: {  	v4 =	vld [tilespmem:s25+$0x0];
	_ =	sdelay $0x2  }
0x85: {  	v6 =	vmul.f32 v2, v2;
	v5 =	vmul.f32 v3, v3;
	_ =	sdelay $0x1  }
0x86: {  	v5 =	vadd.f32 v6, v5;
	v6 =	vmul.f32 v4, v4;
	_ =	sdelay $0x1  }
0x87: {  	v5 =	vadd.f32 v6, v5;
	_ =	sdelay $0x1  }
0x88: {  	v5 =	vsub.f32 $0.0e+00, v5;
	_ =	sdelay $0x1  }
0x89: {  	v5 =	vmul.f32 $1.442695020e+00, v5;
	_ =	sdelay $0x1  }
0x8a: {  	(erf) = vpow2.f32 v5;
	_ =	sdelay $0x8  }
0x8b: {  	v5 =	vpop (erf)  }
0x8c: {  	s12 =	sand.u32 $0x70, s26;
	s31 =	sshll.u32 s31, $0x4;
	v5 =	vmul.f32 $-2.000000000e+00, v5  }
0x8d: {  	v6 =	vor.u32 s12, v1;
	s12 =	sand.u32 $0xFFFFFF80, s31  }
0x8e: {  	v10 =	vor.u32 s12, v6;
	s31 =	sadd.s32 $0x2580, s12;
	s10 =	sadd.s32 $0x1900, s12;
	s28 =	sadd.s32 $0x3E80, s12;
	v7 =	vld [tilespmem:s17+$0x0];
	v8 =	vmul.f32 v5, v3;
	v9 =	vmul.f32 v5, v2  }
0x8f: {  	v5 =	vmul.f32 v5, v4;
	v4 =	vor.u32 s31, v6;
	s31 =	sadd.s32 $0xC80, s12;
	v2 =	vor.u32 s10, v6;
	v11 =	vld [tilespmem:s18+$0x0]  }
0x90: {  	v3 =	vor.u32 s28, v6;
	v13 =	vor.u32 s31, v6;
	v12 =	vsub.f32 $0.0e+00, v8  }
0x91: {  	s10 =	sadd.s32 $0x3200, s12;
	s31 =	sand.u32 $0xFF0, s26;
	[tilespmem:s20+$0x0] =	vst v8  }
0x92: {  	v8 =	vor.u32 s10, v6;
	[tilespmem:s31+$0xA280] =	vst v12  }
0x93: {  	v6 =	vsub.f32 $0.0e+00, v9;
	[tilespmem:v10+s5+$0x0] =	vst.idx.msk $0xffff, v7  }
0x94: {  	[tilespmem:v4+s5+$0x0] =	vst.idx.msk $0xffff, v11  }
.Ltmp5:
0x95: {  	v4 =	vadd.s32 $0x18700, v7;
	[tilespmem:s31+$0xAF00] =	vst v6;
	(pc) =	sbr.rel @p1 .LBB2_5-.Ltmp5, $4  }
0x96: {  	[tilespmem:s31+$0x8980] =	vst v9;
	v9 =	vadd.s32 $0x18700, v11  }
0x97: {  	v6 =	vsub.f32 $0.0e+00, v5;
	[tilespmem:v13+s5+$0x0] =	vst.idx.msk $0xffff, v4  }
0x98: {  	s20 =	sadd.s32 $0x10, s20;
	v4 =	vadd.s32 $0x30E00, v7;
	[tilespmem:v8+s5+$0x0] =	vst.idx.msk $0xffff, v9  }
0x99: {  	s23 =	sadd.s32 $0x10, s23;
	s21 =	sadd.s32 $0x10, s21;
	s25 =	sadd.s32 $0x10, s25;
	[tilespmem:s31+$0x9600] =	vst v5;
	v5 =	vadd.s32 $0x30E00, v11  }
0x9a: {  	s10 =	sadd.s32 $0x2, s16  }
0x9b: {  	p1 =	sge.u32 s10, s11  }
0x9c: {  	s10 =	sshll.u32 @!p1 s10, $0x5  }
0x9d: {  	s10 =	sor.u32 @!p1 s9, s10  }
0x9e: {  	[tilespmem:s31+$0xBB80] =	vst v6;
	s10 =	smul.u32 @!p1 $0x190, s10  }
0x9f: {  	[tilespmem:v2+s5+$0x0] =	vst.idx.msk $0xffff, v4  }
0xa0: {  	[tilespmem:v3+s5+$0x0] =	vst.idx.msk $0xffff, v5;
	s17 =	simm.s32 @!p1 $0x0;
	s12 =	sadd.s32 @!p1 s6, s10  }
0xa1: {  	[tilespmem:s17], [sflag:$0x3] =	stream.linear.gather @!p1 [hbm4b:s12+s17], $0xC80, $0x38;
	[tilespmem:$0x1F450] =	vst v63  }
0xa2: {  	s18 =	simm.s32 @!p1 $0xC80;
	s12 =	sadd.s32 @!p1 s7, s10  }
0xa3: {  	[tilespmem:s18], [sflag:$0x3] =	stream.linear.gather @!p1 [hbm4b:s12+s17], $0xC80, $0x38;
	[tilespmem:$0x1F450] =	vst v63  }
0xa4: {  	s12 =	sadd.s32 @!p1 s8, s10;
	s18 =	simm.s32 @!p1 $0x1900  }
0xa5: {  	[tilespmem:s18], [sflag:$0x3] =	stream.linear.gather @!p1 [hbm4b:s12+s17], $0xC80, $0x38;
	[tilespmem:$0x1F450] =	vst v63  }
0xa6: {  	s12 =	sadd.s32 @!p1 s1, s10;
	s18 =	simm.s32 @!p1 $0x2580  }
0xa7: {  	[tilespmem:s18], [sflag:$0x3] =	stream.linear.gather @!p1 [hbm4b:s12+s17], $0xC80, $0x38;
	[tilespmem:$0x1F450] =	vst v63  }
0xa8: {  	s10 =	sadd.s32 @!p1 s2, s10;
	s12 =	simm.s32 @!p1 $0x3200  }
0xa9: {  	[tilespmem:s12], [sflag:$0x3] =	stream.linear.gather @!p1 [hbm4b:s10+s17], $0xC80, $0x38;
	[tilespmem:$0x1F450] =	vst v63  }
0xaa: {  	s19 =	simm.s32 $0x11300;
	s18 =	simm.s32 $0x7D00;
	s17 =	simm.s32 $0x200  }
.LBB2_7:
0xab: {  	[spmem:s3] =	stream.indirect.scatter.add.f32 [tilespmem:s18], [sflag:$0x1], $0x1, s19, s4, $0xb8;
	[tilespmem:$0x1F450] =	vst v63  }
0xac: {  	s10 =	smov.u32 s17;
	p1 =	sne.s32 s17, $0x12A00  }
.Ltmp6:
0xad: {  	s17 =	sadd.s32 $0x200, s17;
	(pc) =	sbr.rel @p1 .LBB2_7-.Ltmp6, $3  }
0xae: {  	_ =	sdelay $0x1  }
0xaf: {  	s10 =	sshra.s32 s10, $0x2  }
0xb0: {  	s18 =	sadd.s32 $0x7D00, s10;
	s19 =	sadd.s32 $0x11300, s10  }
0xb1: {  	p1 =	sge.u32 s16, s22  }
.Ltmp7:
0xb2: {  	_ = 	snop;
	(pc) =	sbr.rel @p1 .LBB2_14-.Ltmp7, $2  }
0xb3: {  	_ =	sdelay $0x2  }
0xb4: {  	[spmem:s3] =	stream.indirect.scatter.add.f32 [tilespmem:s18], [sflag:$0x1], $0x1, s19, s4, $0xb8;
	[tilespmem:$0x1F450] =	vst v63  }
0xb5: {  	_ =	swait.ge [sflag:s29], $0xC80  }
0xb6: {  	[sflag:s29] =	ssyncset.done $0x0  }
0xb7: {  	[sflag:s29] =	ssyncadd.s32 $0xFFFFF380  }
0xb8: {  	_ =	swait.ge [sflag:s29], $0xC80  }
0xb9: {  	[sflag:s29] =	ssyncset.done $0x0  }
0xba: {  	[sflag:s29] =	ssyncadd.s32 $0xFFFFF380  }
0xbb: {  	_ =	swait.ge [sflag:s29], $0xC80  }
0xbc: {  	[sflag:s29] =	ssyncset.done $0x0  }
0xbd: {  	[sflag:s29] =	ssyncadd.s32 $0xFFFFF380  }
0xbe: {  	_ =	swait.ge [sflag:s29], $0xC80  }
0xbf: {  	[sflag:s29] =	ssyncset.done $0x0  }
0xc0: {  	[sflag:s29] =	ssyncadd.s32 $0xFFFFF380  }
0xc1: {  	_ =	swait.ge [sflag:s29], $0xC80  }
0xc2: {  	[sflag:s29] =	ssyncset.done $0x0  }
0xc3: {  	s10 =	simm.s32 @!p0 $0x2;
	[sflag:s29] =	ssyncadd.s32 $0xFFFFF380  }
0xc4: {  	_ =	swait.ge @!p0 [sflag:s10], $0x4B00  }
0xc5: {  	[sflag:s10] =	ssyncset.done @!p0 $0x0  }
0xc6: {  	s18 =	simm.s32 $0x4B00;
	[sflag:s10] =	ssyncadd.s32 @!p0 $0xFFFFB500  }
0xc7: {  	s12 =	simm.s32 $0x3E80;
	v2 =	vld [tilespmem:s18+$0x0]  }
0xc8: {  	v3 =	vld [tilespmem:s12+$0x0]  }
0xc9: {  	s19 =	simm.s32 $0x5780  }
0xca: {  	v4 =	vld [tilespmem:s19+$0x0];
	_ =	sdelay $0x2  }
0xcb: {  	v5 =	vmul.f32 v3, v3;
	v6 =	vmul.f32 v2, v2;
	_ =	sdelay $0x1  }
0xcc: {  	v5 =	vadd.f32 v6, v5;
	v6 =	vmul.f32 v4, v4;
	_ =	sdelay $0x1  }
0xcd: {  	v5 =	vadd.f32 v6, v5;
	_ =	sdelay $0x1  }
0xce: {  	v5 =	vsub.f32 $0.0e+00, v5;
	_ =	sdelay $0x1  }
0xcf: {  	v5 =	vmul.f32 $1.442695020e+00, v5;
	_ =	sdelay $0x1  }
0xd0: {  	(erf) = vpow2.f32 v5;
	_ =	sdelay $0x8  }
0xd1: {  	s17 =	simm.s32 $0x0;
	v5 =	vpop (erf)  }
0xd2: {  	s21 =	simm.s32 $0x0;
	s20 =	sand.u32 $0x70, s17;
	v5 =	vmul.f32 $-2.000000000e+00, v5  }
0xd3: {  	s23 =	sand.u32 $0xFFFFFF80, s21;
	s18 =	simm.s32 $0x6400;
	v6 =	vor.u32 s20, v1  }
0xd4: {  	s19 =	simm.s32 $0x7080;
	s12 =	sadd.s32 $0x2580, s23;
	v7 =	vld [tilespmem:s18+$0x0];
	v8 =	vor.u32 s23, v6;
	v3 =	vmul.f32 v5, v3  }
0xd5: {  	v9 =	vld [tilespmem:s19+$0x0];
	v10 =	vor.u32 s12, v6  }
0xd6: {  	s25 =	simm.s32 $0xC800;
	v11 =	vsub.f32 $0.0e+00, v3  }
0xd7: {  	s31 =	sand.u32 $0xFF0, s17;
	s20 =	sadd.s32 $0xC80, s23;
	v2 =	vmul.f32 v5, v2;
	[tilespmem:s25+$0x0] =	vst v3  }
0xd8: {  	s26 =	sadd.s32 $0x3200, s23;
	v3 =	vor.u32 s20, v6;
	[tilespmem:s31+$0xED80] =	vst v11  }
0xd9: {  	v63 =	vor.u32 s26, v6;
	[tilespmem:v8+s30+$0x0] =	vst.idx.msk $0xffff, v7;
	v8 =	vsub.f32 $0.0e+00, v2  }
0xda: {  	[tilespmem:v10+s30+$0x0] =	vst.idx.msk $0xffff, v9  }
0xdb: {  	s28 =	sadd.s32 $0x1900, s23;
	[tilespmem:s31+$0xFA00] =	vst v8  }
0xdc: {  	s10 =	sadd.s32 $0x3E80, s23;
	v5 =	vmul.f32 v5, v4;
	v8 =	vadd.s32 $0x18700, v7;
	[tilespmem:s31+$0xD480] =	vst v2;
	v2 =	vor.u32 s28, v6  }
0xdd: {  	v4 =	vadd.s32 $0x18700, v9;
	[tilespmem:v3+s30+$0x0] =	vst.idx.msk $0xffff, v8;
	v3 =	vor.u32 s10, v6  }
0xde: {  	s21 =	simm.s32 $0xC810;
	s23 =	simm.s32 $0x3E90;
	v6 =	vsub.f32 $0.0e+00, v5;
	[tilespmem:v63+s30+$0x0] =	vst.idx.msk $0xffff, v4  }
0xdf: {  	s26 =	simm.s32 $0x5790;
	s20 =	simm.s32 $0x1;
	s25 =	simm.s32 $0x4B10;
	v4 =	vadd.s32 $0x30E00, v7;
	[tilespmem:s31+$0xE100] =	vst v5;
	v5 =	vadd.s32 $0x30E00, v9  }
.LBB2_10:
0xe0: {  	[tilespmem:s31+$0x10680] =	vst v6;
	s17 =	sadd.s32 $0x10, s17;
	s18 =	sadd.s32 $0x10, s18;
	s19 =	sadd.s32 $0x10, s19  }
0xe1: {  	p0 =	sne.s32 s20, $0xC7;
	s10 =	smov.u32 s20;
	s20 =	sadd.s32 $0x1, s20;
	[tilespmem:v2+s30+$0x0] =	vst.idx.msk $0xffff, v4  }
0xe2: {  	[tilespmem:v3+s30+$0x0] =	vst.idx.msk $0xffff, v5  }
0xe3: {  	v2 =	vld [tilespmem:s25+$0x0]  }
0xe4: {  	v3 =	vld [tilespmem:s23+$0x0];
	_ =	sdelay $0x1  }
0xe5: {  	v4 =	vld [tilespmem:s26+$0x0];
	_ =	sdelay $0x2  }
0xe6: {  	v6 =	vmul.f32 v2, v2;
	v5 =	vmul.f32 v3, v3;
	_ =	sdelay $0x1  }
0xe7: {  	v5 =	vadd.f32 v6, v5;
	v6 =	vmul.f32 v4, v4;
	_ =	sdelay $0x1  }
0xe8: {  	v5 =	vadd.f32 v6, v5;
	_ =	sdelay $0x1  }
0xe9: {  	v5 =	vsub.f32 $0.0e+00, v5;
	_ =	sdelay $0x1  }
0xea: {  	v5 =	vmul.f32 $1.442695020e+00, v5;
	_ =	sdelay $0x1  }
0xeb: {  	(erf) = vpow2.f32 v5;
	_ =	sdelay $0x8  }
0xec: {  	v5 =	vpop (erf)  }
0xed: {  	s12 =	sand.u32 $0x70, s17;
	s10 =	sshll.u32 s10, $0x4;
	v5 =	vmul.f32 $-2.000000000e+00, v5  }
0xee: {  	s10 =	sand.u32 $0xFFFFFF80, s10;
	v6 =	vor.u32 s12, v1  }
0xef: {  	s28 =	sadd.s32 $0x1900, s10;
	s31 =	sadd.s32 $0x3E80, s10;
	s12 =	sadd.s32 $0x2580, s10;
	v10 =	vor.u32 s10, v6;
	v7 =	vld [tilespmem:s18+$0x0];
	v8 =	vmul.f32 v5, v3;
	v9 =	vmul.f32 v5, v2  }
0xf0: {  	v5 =	vmul.f32 v5, v4;
	v4 =	vor.u32 s12, v6;
	s12 =	sadd.s32 $0xC80, s10;
	v2 =	vor.u32 s28, v6;
	v11 =	vld [tilespmem:s19+$0x0]  }
0xf1: {  	v3 =	vor.u32 s31, v6;
	v13 =	vor.u32 s12, v6;
	v12 =	vsub.f32 $0.0e+00, v8  }
0xf2: {  	s31 =	sand.u32 $0xFF0, s17;
	s10 =	sadd.s32 $0x3200, s10;
	[tilespmem:s21+$0x0] =	vst v8  }
0xf3: {  	v8 =	vor.u32 s10, v6;
	[tilespmem:s31+$0xED80] =	vst v12  }
0xf4: {  	v6 =	vsub.f32 $0.0e+00, v9;
	[tilespmem:v10+s30+$0x0] =	vst.idx.msk $0xffff, v7  }
0xf5: {  	[tilespmem:v4+s30+$0x0] =	vst.idx.msk $0xffff, v11  }
.Ltmp8:
0xf6: {  	v4 =	vadd.s32 $0x18700, v7;
	[tilespmem:s31+$0xFA00] =	vst v6;
	(pc) =	sbr.rel @p0 .LBB2_10-.Ltmp8, $4  }
0xf7: {  	[tilespmem:s31+$0xD480] =	vst v9;
	v9 =	vadd.s32 $0x18700, v11  }
0xf8: {  	v6 =	vsub.f32 $0.0e+00, v5;
	[tilespmem:v13+s30+$0x0] =	vst.idx.msk $0xffff, v4  }
0xf9: {  	s21 =	sadd.s32 $0x10, s21;
	v4 =	vadd.s32 $0x30E00, v7;
	[tilespmem:v8+s30+$0x0] =	vst.idx.msk $0xffff, v9  }
0xfa: {  	s25 =	sadd.s32 $0x10, s25;
	s23 =	sadd.s32 $0x10, s23;
	s26 =	sadd.s32 $0x10, s26;
	[tilespmem:s31+$0xE100] =	vst v5;
	v5 =	vadd.s32 $0x30E00, v11  }
0xfb: {  	s10 =	sadd.s32 $0x3, s16  }
0xfc: {  	p0 =	sge.u32 s10, s11  }
0xfd: {  	s10 =	sshll.u32 @!p0 s10, $0x5  }
0xfe: {  	s10 =	sor.u32 @!p0 s9, s10  }
0xff: {  	[tilespmem:s31+$0x10680] =	vst v6;
	s10 =	smul.u32 @!p0 $0x190, s10  }
0x100: {  	[tilespmem:v2+s30+$0x0] =	vst.idx.msk $0xffff, v4  }
0x101: {  	[tilespmem:v3+s30+$0x0] =	vst.idx.msk $0xffff, v5;
	s16 =	simm.s32 @!p0 $0x0;
	s17 =	simm.s32 @!p0 $0x3E80;
	s12 =	sadd.s32 @!p0 s6, s10  }
0x102: {  	[tilespmem:s17], [sflag:$0x4] =	stream.linear.gather @!p0 [hbm4b:s12+s16], $0xC80, $0x38;
	[tilespmem:$0x1F450] =	vst v63  }
0x103: {  	s12 =	sadd.s32 @!p0 s7, s10;
	s17 =	simm.s32 @!p0 $0x4B00  }
0x104: {  	[tilespmem:s17], [sflag:$0x4] =	stream.linear.gather @!p0 [hbm4b:s12+s16], $0xC80, $0x38;
	[tilespmem:$0x1F450] =	vst v63  }
0x105: {  	s12 =	sadd.s32 @!p0 s8, s10;
	s17 =	simm.s32 @!p0 $0x5780  }
0x106: {  	[tilespmem:s17], [sflag:$0x4] =	stream.linear.gather @!p0 [hbm4b:s12+s16], $0xC80, $0x38;
	[tilespmem:$0x1F450] =	vst v63  }
0x107: {  	s12 =	sadd.s32 @!p0 s1, s10;
	s17 =	simm.s32 @!p0 $0x6400  }
0x108: {  	[tilespmem:s17], [sflag:$0x4] =	stream.linear.gather @!p0 [hbm4b:s12+s16], $0xC80, $0x38;
	[tilespmem:$0x1F450] =	vst v63  }
0x109: {  	s10 =	sadd.s32 @!p0 s2, s10;
	s12 =	simm.s32 @!p0 $0x7080  }
0x10a: {  	[tilespmem:s12], [sflag:$0x4] =	stream.linear.gather @!p0 [hbm4b:s10+s16], $0xC80, $0x38;
	[tilespmem:$0x1F450] =	vst v63  }
0x10b: {  	s18 =	simm.s32 $0x15F00;
	s17 =	simm.s32 $0xC800;
	s16 =	simm.s32 $0x200  }
.LBB2_12:
0x10c: {  	[spmem:s3] =	stream.indirect.scatter.add.f32 [tilespmem:s17], [sflag:$0x2], $0x1, s18, s4, $0xb8;
	[tilespmem:$0x1F450] =	vst v63  }
0x10d: {  	s10 =	smov.u32 s16;
	p0 =	sne.s32 s16, $0x12A00  }
.Ltmp9:
0x10e: {  	s16 =	sadd.s32 $0x200, s16;
	(pc) =	sbr.rel @p0 .LBB2_12-.Ltmp9, $3  }
0x10f: {  	_ =	sdelay $0x1  }
0x110: {  	s10 =	sshra.s32 s10, $0x2  }
0x111: {  	s17 =	sadd.s32 $0xC800, s10;
	s18 =	sadd.s32 $0x15F00, s10  }
.Ltmp10:
0x112: {  	(pc) =	sbr.rel .LBB2_14-.Ltmp10, $2  }
0x113: {  	_ =	sdelay $0x2  }
0x114: {  	[spmem:s3] =	stream.indirect.scatter.add.f32 [tilespmem:s17], [sflag:$0x2], $0x1, s18, s4, $0xb8;
	[tilespmem:$0x1F450] =	vst v63  }
.LBB2_16:
0x115: {  	_ =	sfence.sel $0x180000  }
0x116: {  	[bflag:$0x0] =	sbarrier.arrive $0xFFFF  }
0x117: {  	_ =	strace $0x90000047  }
0x118: {  	s0 =	stileid.u32;
	[bflag:$0x2] =	sbarrier.arrive $0xFFFF  }
0x119: {  	p0 =	sne.s32 s0, $0x0;
	s0 =	rddreg [dreg:$0x5]  }
0x11a: {  	s0 =	sadd.s32 @!p0 $0x100000, s0  }
0x11b: {  	[sflag:s0] =	ssyncadd.tile.s32 @!p0 $0x1;
	_ =	shalt  }
.Lfunc_end2:
_tile_overlayer_lowered:
.L_overlay_start_2:
0x11c: {  	(tag) =	ssettag $0x2  }
0x11d: {  	s0 =	rddreg [dreg:$0x0];
	s2 =	stileid.u32  }
0x11e: {  	s1 =	rddreg [dreg:$0x1];
	p0 =	sne.s32 s2, $0x0  }
0x11f: {  	s3 =	rddreg [dreg:$0x2];
	[bflag:$0x3] =	sbarrier.arrive $0xFFFF;
	s2 =	simm.s32 @!p0 $0x1C05  }
0x120: {  	[timem:s3], [sflag:s2] =	dma.local @!p0 [hbm:s0], s1  }
0x121: {  	s0 =	simm.s32 @!p0 $0x5  }
0x122: {  	_ =	swait.ge @!p0 [sflag:s0], s1  }
0x123: {  	s1 =	ssub.s32 @!p0 $0x0, s1;
	[sflag:s0] =	ssyncset.done @!p0 $0x0  }
0x124: {  	[sflag:s0] =	ssyncadd.s32 @!p0 s1  }
0x125: {  	[bflag:$0x3] =	sbarrier.arrive $0xFFFF  }
0x126: {  	_ =	shalt  }

</sc_bundles>
